<compile_context>
chip_gen: v7x
topology: tpu7x:2x2x1
jax: 0.10.2.dev20260603
libtpu: 0.0.44.dev20260713+nightly
codegen_flags: <defaults>
</compile_context>

<pallas_src>
import functools

import jax
import jax.numpy as jnp
from jax import lax
from jax.experimental import pallas as pl
from jax.experimental.pallas import tpu as pltpu
from jax.experimental.pallas import tpu_sc as plsc

K = 1024
D = 64
B = 16
HW = 1024
T = 1024
C = HW // T
NTOK = B * HW
NSTEP = B * C
COMMIT = 0.25

NC = 2
NS = 16
NW = NC * NS
TPT = NTOK // NW
M = NTOK * K
EPT = M // NW
ZCHUNK = 16384
NZDMA = EPT // ZCHUNK


def _vq_tc_body(x_ref, emb_ref, idx_ref, q_ref, loss_ref, perp_ref,
                counts_ref, sse_ref):
    i = pl.program_id(0)

    @pl.when(i == 0)
    def _init():
        counts_ref[...] = jnp.zeros_like(counts_ref)
        sse_ref[0] = 0.0

    x = x_ref[0]
    x2 = jnp.sum(x ** 2, axis=0)
    xd = x + x
    emb = emb_ref[...]
    e2 = jnp.sum(emb ** 2, axis=1)
    xe2 = lax.dot_general(xd, emb, (((0,), (1,)), ((), ())),
                          preferred_element_type=jnp.float32)
    scores = (x2[:, None] + e2[None, :]) - xe2
    minval = jnp.min(scores, axis=1)
    iota_k = lax.broadcasted_iota(jnp.int32, (T, K), 1)
    idx = jnp.min(jnp.where(scores == minval[:, None], iota_k, K), axis=1)
    idx_ref[0, 0] = idx
    enc = (iota_k == idx[:, None]).astype(jnp.float32)
    counts_ref[...] += jnp.sum(enc, axis=0)
    qT = lax.dot_general(emb, enc, (((0,), (1,)), ((), ())),
                         preferred_element_type=jnp.float32)
    q_ref[0] = qT
    diff = qT - x
    sse_ref[0] += jnp.sum(diff * diff)

    @pl.when(i == NSTEP - 1)
    def _fini():
        loss_ref[0, 0] = (1.0 + COMMIT) * sse_ref[0] / (NTOK * D)
        avg = counts_ref[...] * (1.0 / NTOK)
        perp_ref[0, 0] = jnp.exp(-jnp.sum(avg * jnp.log(avg + 1e-10)))


_SC_MESH = plsc.VectorSubcoreMesh(core_axis_name="c", subcore_axis_name="s")


@functools.partial(
    pl.kernel,
    out_type=jax.ShapeDtypeStruct((M,), jnp.float32),
    mesh=_SC_MESH,
    scratch_types=[pltpu.VMEM((ZCHUNK,), jnp.float32)],
)
def _sc_fill(out_hbm, zbuf):
    wid = lax.axis_index("s") * NC + lax.axis_index("c")
    base = wid * EPT

    def _zero(j, carry):
        zbuf[pl.ds(j * 16, 16)] = jnp.zeros((16,), jnp.float32)
        return carry

    lax.fori_loop(0, ZCHUNK // 16, _zero, 0)

    def _dma(t, carry):
        pltpu.sync_copy(zbuf, out_hbm.at[pl.ds(base + t * ZCHUNK, ZCHUNK)])
        return carry

    lax.fori_loop(0, NZDMA, _dma, 0)


@functools.partial(
    pl.kernel,
    out_type=(),
    mesh=_SC_MESH,
    scratch_types=[
        pltpu.VMEM((TPT,), jnp.int32),
        pltpu.VMEM((4, 128), jnp.int32),
        pltpu.VMEM((128,), jnp.float32),
        pltpu.SemaphoreType.DMA,
    ],
)
def _sc_scatter(enc_ref, idx_hbm, idxbuf, offbuf, ones, sem):
    wid = lax.axis_index("s") * NC + lax.axis_index("c")
    base = wid * TPT
    pltpu.sync_copy(idx_hbm.at[pl.ds(base, TPT)], idxbuf)
    for j in range(8):
        ones[pl.ds(j * 16, 16)] = jnp.ones((16,), jnp.float32)
    lane_k = lax.iota(jnp.int32, 16) * K
    for j in range(TPT // 16):
        iv = idxbuf[pl.ds(j * 16, 16)]
        off = iv + lane_k + ((base + j * 16) * K)
        offbuf[j // 8, pl.ds((j % 8) * 16, 16)] = off
    copies = [pltpu.async_copy(ones, enc_ref.at[offbuf.at[c]], sem)
              for c in range(4)]
    for cp in copies:
        cp.wait()


def kernel(inputs, embedding):
    xr = inputs.reshape(B, D, HW)
    idx3, q, loss, perp = pl.pallas_call(
        _vq_tc_body,
        grid=(NSTEP,),
        in_specs=[
            pl.BlockSpec((1, D, T), lambda i: (i // C, 0, i % C)),
            pl.BlockSpec((K, D), lambda i: (0, 0)),
        ],
        out_specs=[
            pl.BlockSpec((1, 1, T), lambda i: (i, 0, 0)),
            pl.BlockSpec((1, D, T), lambda i: (i // C, 0, i % C)),
            pl.BlockSpec((1, 1), lambda i: (0, 0), memory_space=pltpu.SMEM),
            pl.BlockSpec((1, 1), lambda i: (0, 0), memory_space=pltpu.SMEM),
        ],
        out_shape=[
            jax.ShapeDtypeStruct((NSTEP, 1, T), jnp.int32),
            jax.ShapeDtypeStruct((B, D, HW), jnp.float32),
            jax.ShapeDtypeStruct((1, 1), jnp.float32),
            jax.ShapeDtypeStruct((1, 1), jnp.float32),
        ],
        scratch_shapes=[
            pltpu.VMEM((K,), jnp.float32),
            pltpu.SMEM((1,), jnp.float32),
        ],
    )(xr, embedding)
    enc0 = _sc_fill()
    enc_ref = jax.new_ref(enc0)
    _sc_scatter(enc_ref, idx3.reshape(NTOK))
    enc = jax.freeze(enc_ref).reshape(NTOK, K)
    quantized = q.reshape(B, D, 32, 32)
    return (loss[0, 0], quantized, perp[0, 0], enc)

# --- scband reference (transcript-rebuilt; emitter-appended) ---
"""Pipeline reference for scband-vector-quantizer-9620726743262 (READ-ONLY COPY).

The authoritative reference and input builder live on the scoring server;
editing this copy changes nothing except your own understanding.
"""

import jax, jax.numpy as jnp
import numpy as np

NUM_EMBEDDING = 1024
EMBEDDING_DIM = 64
COMMITMENT_COST = 0.25


def setup_inputs(seed: int = 0) -> dict:
    key = jax.random.key(seed)
    k1, k2 = jax.random.split(key)
    inputs = jax.random.normal(k1, (16, 64, 32, 32), dtype=jnp.float32)
    embedding = jax.random.uniform(
        k2, (NUM_EMBEDDING, EMBEDDING_DIM), dtype=jnp.float32,
        minval=-1.0 / NUM_EMBEDDING, maxval=1.0 / NUM_EMBEDDING)
    return {"inputs": inputs, "embedding": embedding}


def reference(inputs, embedding):
    # permute BCHW -> BHWC
    x = jnp.transpose(inputs, (0, 2, 3, 1))
    x_shape = x.shape
    flat_x = x.reshape(-1, EMBEDDING_DIM)
    # squared euclidean distances to codebook entries
    distances = (jnp.sum(flat_x ** 2, axis=1, keepdims=True)
                 + jnp.sum(embedding ** 2, axis=1)
                 - 2.0 * jnp.matmul(flat_x, embedding.T))
    encoding_indices = jnp.argmin(distances, axis=1)
    n = encoding_indices.shape[0]
    # one-hot via scatter-overwrite
    encodings = jnp.zeros((n, NUM_EMBEDDING), dtype=jnp.float32)
    encodings = encodings.at[jnp.arange(n), encoding_indices].set(1.0)
    quantized = jnp.matmul(encodings, embedding).reshape(x_shape)
    q_latent_loss = jnp.mean((jax.lax.stop_gradient(quantized) - x) ** 2)
    e_latent_loss = jnp.mean((quantized - jax.lax.stop_gradient(x)) ** 2)
    loss = q_latent_loss + COMMITMENT_COST * e_latent_loss
    # straight-through estimator
    quantized = x + jax.lax.stop_gradient(quantized - x)
    avg_probs = jnp.mean(encodings, axis=0)
    perplexity = jnp.exp(-jnp.sum(avg_probs * jnp.log(avg_probs + 1e-10)))
    quantized_convert = jnp.transpose(quantized, (0, 3, 1, 2))
    return (loss, quantized_convert, perplexity, encodings)

if __name__ == "__main__":
    import jax
    _d = setup_inputs()
    print(jax.jit(kernel)(*tuple(_d.values())))

</pallas_src>

<mosaic_0001>
#map = affine_map<(d0, d1) -> (0)>
module attributes {stable_mosaic.version = 14 : i64} {
  func.func @new_body(%arg0: i32, %arg1: i32, %arg2: memref<16777216xf32, #tpu.memory_space<hbm>>, %arg3: memref<16384xi32, #tpu.memory_space<hbm>>, %arg4: memref<16777216xf32, #tpu.memory_space<hbm>>, %arg5: memref<512xi32, #tpu.memory_space<vmem>>, %arg6: memref<4x128xi32, #tpu.memory_space<vmem>>, %arg7: memref<128xf32, #tpu.memory_space<vmem>>, %arg8: memref<!tpu.dma_semaphore, #tpu.memory_space<semaphore_mem>>) attributes {dimension_semantics = [#tpu.dimension_semantics<core_parallel>, #tpu.dimension_semantics<subcore_parallel>], iteration_bounds = array<i64: 2, 16>, scalar_prefetch = 0 : i64, scratch_operands = 4 : i64, tpu.core_type = #tpu.core_type<sc_vector_subcore>, window_params = [{transform_indices = #map}, {transform_indices = #map}, {transform_indices = #map}]} {
    %mul3A = arith.constant 2 : i32
    %mul3A_0 = arith.muli %arg1, %mul3A : i32
    %add3A = arith.addi %mul3A_0, %arg0 : i32
    %mul3A_1 = arith.constant 512 : i32
    %mul3A_2 = arith.muli %add3A, %mul3A_1 : i32
    "tpu.region"() ({
      %run_scoped3A = tpu.sem_alloc : memref<!tpu.dma_semaphore, #tpu.memory_space<semaphore_mem>>
      %dma_start3A_609 = tpu.memref_slice %arg3[%mul3A_2] : memref<16384xi32, #tpu.memory_space<hbm>> -> memref<512xi32, #tpu.memory_space<hbm>>
      %dma_start3A_610 = tpu.memref_slice %arg3[%mul3A_2] : memref<16384xi32, #tpu.memory_space<hbm>> -> memref<512xi32, #tpu.memory_space<hbm>>
      tpu.enqueue_dma source(%dma_start3A_610 : memref<512xi32, #tpu.memory_space<hbm>>) target(%arg5 : memref<512xi32, #tpu.memory_space<vmem>>) target_semaphore(%run_scoped3A : memref<!tpu.dma_semaphore, #tpu.memory_space<semaphore_mem>>)
      %dma_wait3A_611 = tpu.memref_slice %arg3[%mul3A_2] : memref<16384xi32, #tpu.memory_space<hbm>> -> memref<512xi32, #tpu.memory_space<hbm>>
      %dma_wait3A_612 = tpu.memref_slice %arg3[%mul3A_2] : memref<16384xi32, #tpu.memory_space<hbm>> -> memref<512xi32, #tpu.memory_space<hbm>>
      tpu.wait_dma2 semaphore(%run_scoped3A : memref<!tpu.dma_semaphore, #tpu.memory_space<semaphore_mem>>) src(%dma_wait3A_612 : memref<512xi32, #tpu.memory_space<hbm>>) dst(%arg5 : memref<512xi32, #tpu.memory_space<vmem>>)
      tpu.yield
    }) : () -> ()
    %broadcast_in_dim3A = arith.constant 1.000000e+00 : f32
    %broadcast_in_dim3A_3 = vector.broadcast %broadcast_in_dim3A : f32 to vector<16xf32>
    %swap3A = arith.constant 0 : index
    %swap3A_4 = tpu.vector_load %arg7[%swap3A] {strides = array<i32>} : memref<128xf32, #tpu.memory_space<vmem>>, vector<16xf32>,
    %swap3A_5 = vector.shape_cast %swap3A_4 : vector<16xf32> to vector<16xf32>
    %swap3A_6 = vector.shape_cast %broadcast_in_dim3A_3 : vector<16xf32> to vector<16xf32>
    tpu.vector_store %arg7[%swap3A], %swap3A_6 {strides = array<i32>} : memref<128xf32, #tpu.memory_space<vmem>>, vector<16xf32>,
    %broadcast_in_dim3A_7 = arith.constant 1.000000e+00 : f32
    %broadcast_in_dim3A_8 = vector.broadcast %broadcast_in_dim3A_7 : f32 to vector<16xf32>
    %swap3A_9 = arith.constant 16 : index
    %swap3A_10 = tpu.vector_load %arg7[%swap3A_9] {strides = array<i32>} : memref<128xf32, #tpu.memory_space<vmem>>, vector<16xf32>,
    %swap3A_11 = vector.shape_cast %swap3A_10 : vector<16xf32> to vector<16xf32>
    %swap3A_12 = vector.shape_cast %broadcast_in_dim3A_8 : vector<16xf32> to vector<16xf32>
    tpu.vector_store %arg7[%swap3A_9], %swap3A_12 {strides = array<i32>} : memref<128xf32, #tpu.memory_space<vmem>>, vector<16xf32>,
    %broadcast_in_dim3A_13 = arith.constant 1.000000e+00 : f32
    %broadcast_in_dim3A_14 = vector.broadcast %broadcast_in_dim3A_13 : f32 to vector<16xf32>
    %swap3A_15 = arith.constant 32 : index
    %swap3A_16 = tpu.vector_load %arg7[%swap3A_15] {strides = array<i32>} : memref<128xf32, #tpu.memory_space<vmem>>, vector<16xf32>,
    %swap3A_17 = vector.shape_cast %swap3A_16 : vector<16xf32> to vector<16xf32>
    %swap3A_18 = vector.shape_cast %broadcast_in_dim3A_14 : vector<16xf32> to vector<16xf32>
    tpu.vector_store %arg7[%swap3A_15], %swap3A_18 {strides = array<i32>} : memref<128xf32, #tpu.memory_space<vmem>>, vector<16xf32>,
    %broadcast_in_dim3A_19 = arith.constant 1.000000e+00 : f32
    %broadcast_in_dim3A_20 = vector.broadcast %broadcast_in_dim3A_19 : f32 to vector<16xf32>
    %swap3A_21 = arith.constant 48 : index
    %swap3A_22 = tpu.vector_load %arg7[%swap3A_21] {strides = array<i32>} : memref<128xf32, #tpu.memory_space<vmem>>, vector<16xf32>,
    %swap3A_23 = vector.shape_cast %swap3A_22 : vector<16xf32> to vector<16xf32>
    %swap3A_24 = vector.shape_cast %broadcast_in_dim3A_20 : vector<16xf32> to vector<16xf32>
    tpu.vector_store %arg7[%swap3A_21], %swap3A_24 {strides = array<i32>} : memref<128xf32, #tpu.memory_space<vmem>>, vector<16xf32>,
    %broadcast_in_dim3A_25 = arith.constant 1.000000e+00 : f32
    %broadcast_in_dim3A_26 = vector.broadcast %broadcast_in_dim3A_25 : f32 to vector<16xf32>
    %swap3A_27 = arith.constant 64 : index
    %swap3A_28 = tpu.vector_load %arg7[%swap3A_27] {strides = array<i32>} : memref<128xf32, #tpu.memory_space<vmem>>, vector<16xf32>,
    %swap3A_29 = vector.shape_cast %swap3A_28 : vector<16xf32> to vector<16xf32>
    %swap3A_30 = vector.shape_cast %broadcast_in_dim3A_26 : vector<16xf32> to vector<16xf32>
    tpu.vector_store %arg7[%swap3A_27], %swap3A_30 {strides = array<i32>} : memref<128xf32, #tpu.memory_space<vmem>>, vector<16xf32>,
    %broadcast_in_dim3A_31 = arith.constant 1.000000e+00 : f32
    %broadcast_in_dim3A_32 = vector.broadcast %broadcast_in_dim3A_31 : f32 to vector<16xf32>
    %swap3A_33 = arith.constant 80 : index
    %swap3A_34 = tpu.vector_load %arg7[%swap3A_33] {strides = array<i32>} : memref<128xf32, #tpu.memory_space<vmem>>, vector<16xf32>,
    %swap3A_35 = vector.shape_cast %swap3A_34 : vector<16xf32> to vector<16xf32>
    %swap3A_36 = vector.shape_cast %broadcast_in_dim3A_32 : vector<16xf32> to vector<16xf32>
    tpu.vector_store %arg7[%swap3A_33], %swap3A_36 {strides = array<i32>} : memref<128xf32, #tpu.memory_space<vmem>>, vector<16xf32>,
    %broadcast_in_dim3A_37 = arith.constant 1.000000e+00 : f32
    %broadcast_in_dim3A_38 = vector.broadcast %broadcast_in_dim3A_37 : f32 to vector<16xf32>
    %swap3A_39 = arith.constant 96 : index
    %swap3A_40 = tpu.vector_load %arg7[%swap3A_39] {strides = array<i32>} : memref<128xf32, #tpu.memory_space<vmem>>, vector<16xf32>,
    %swap3A_41 = vector.shape_cast %swap3A_40 : vector<16xf32> to vector<16xf32>
    %swap3A_42 = vector.shape_cast %broadcast_in_dim3A_38 : vector<16xf32> to vector<16xf32>
    tpu.vector_store %arg7[%swap3A_39], %swap3A_42 {strides = array<i32>} : memref<128xf32, #tpu.memory_space<vmem>>, vector<16xf32>,
    %broadcast_in_dim3A_43 = arith.constant 1.000000e+00 : f32
    %broadcast_in_dim3A_44 = vector.broadcast %broadcast_in_dim3A_43 : f32 to vector<16xf32>
    %swap3A_45 = arith.constant 112 : index
    %swap3A_46 = tpu.vector_load %arg7[%swap3A_45] {strides = array<i32>} : memref<128xf32, #tpu.memory_space<vmem>>, vector<16xf32>,
    %swap3A_47 = vector.shape_cast %swap3A_46 : vector<16xf32> to vector<16xf32>
    %swap3A_48 = vector.shape_cast %broadcast_in_dim3A_44 : vector<16xf32> to vector<16xf32>
    tpu.vector_store %arg7[%swap3A_45], %swap3A_48 {strides = array<i32>} : memref<128xf32, #tpu.memory_space<vmem>>, vector<16xf32>,
    %iota3A = tpu.iota {dimensions = array<i32: 0>} : vector<16xi32>
    %mul3A_49 = arith.constant 1024 : i32
    %mul3A_50 = vector.broadcast %mul3A_49 : i32 to vector<16xi32>
    %mul3A_51 = arith.muli %iota3A, %mul3A_50 : vector<16xi32>
    %get3A = arith.constant 0 : index
    %get3A_52 = tpu.vector_load %arg5[%get3A] {strides = array<i32>} : memref<512xi32, #tpu.memory_space<vmem>>, vector<16xi32>,
    %get3A_53 = vector.shape_cast %get3A_52 : vector<16xi32> to vector<16xi32>
    %add3A_54 = arith.addi %get3A_53, %mul3A_51 : vector<16xi32>
    %add3A_55 = arith.constant 0 : i32
    %add3A_56 = arith.addi %mul3A_2, %add3A_55 : i32
    %mul3A_57 = arith.constant 1024 : i32
    %mul3A_58 = arith.muli %add3A_56, %mul3A_57 : i32
    %add3A_59 = vector.broadcast %mul3A_58 : i32 to vector<16xi32>
    %add3A_60 = arith.addi %add3A_54, %add3A_59 : vector<16xi32>
    %swap3A_61 = arith.constant 0 : i32
    %swap3A_62 = arith.index_cast %swap3A_61 : i32 to index
    %swap3A_63 = arith.constant 0 : index
    %swap3A_64 = tpu.vector_load %arg6[%swap3A_62, %swap3A_63] {strides = array<i32>} : memref<4x128xi32, #tpu.memory_space<vmem>>, vector<1x16xi32>,
    %swap3A_65 = vector.shape_cast %swap3A_64 : vector<1x16xi32> to vector<16xi32>
    %swap3A_66 = vector.shape_cast %add3A_60 : vector<16xi32> to vector<1x16xi32>
    tpu.vector_store %arg6[%swap3A_62, %swap3A_63], %swap3A_66 {strides = array<i32>} : memref<4x128xi32, #tpu.memory_space<vmem>>, vector<1x16xi32>,
    %get3A_67 = arith.constant 16 : index
    %get3A_68 = tpu.vector_load %arg5[%get3A_67] {strides = array<i32>} : memref<512xi32, #tpu.memory_space<vmem>>, vector<16xi32>,
    %get3A_69 = vector.shape_cast %get3A_68 : vector<16xi32> to vector<16xi32>
    %add3A_70 = arith.addi %get3A_69, %mul3A_51 : vector<16xi32>
    %add3A_71 = arith.constant 16 : i32
    %add3A_72 = arith.addi %mul3A_2, %add3A_71 : i32
    %mul3A_73 = arith.constant 1024 : i32
    %mul3A_74 = arith.muli %add3A_72, %mul3A_73 : i32
    %add3A_75 = vector.broadcast %mul3A_74 : i32 to vector<16xi32>
    %add3A_76 = arith.addi %add3A_70, %add3A_75 : vector<16xi32>
    %swap3A_77 = arith.constant 0 : i32
    %swap3A_78 = arith.index_cast %swap3A_77 : i32 to index
    %swap3A_79 = arith.constant 16 : index
    %swap3A_80 = tpu.vector_load %arg6[%swap3A_78, %swap3A_79] {strides = array<i32>} : memref<4x128xi32, #tpu.memory_space<vmem>>, vector<1x16xi32>,
    %swap3A_81 = vector.shape_cast %swap3A_80 : vector<1x16xi32> to vector<16xi32>
    %swap3A_82 = vector.shape_cast %add3A_76 : vector<16xi32> to vector<1x16xi32>
    tpu.vector_store %arg6[%swap3A_78, %swap3A_79], %swap3A_82 {strides = array<i32>} : memref<4x128xi32, #tpu.memory_space<vmem>>, vector<1x16xi32>,
    %get3A_83 = arith.constant 32 : index
    %get3A_84 = tpu.vector_load %arg5[%get3A_83] {strides = array<i32>} : memref<512xi32, #tpu.memory_space<vmem>>, vector<16xi32>,
    %get3A_85 = vector.shape_cast %get3A_84 : vector<16xi32> to vector<16xi32>
    %add3A_86 = arith.addi %get3A_85, %mul3A_51 : vector<16xi32>
    %add3A_87 = arith.constant 32 : i32
    %add3A_88 = arith.addi %mul3A_2, %add3A_87 : i32
    %mul3A_89 = arith.constant 1024 : i32
    %mul3A_90 = arith.muli %add3A_88, %mul3A_89 : i32
    %add3A_91 = vector.broadcast %mul3A_90 : i32 to vector<16xi32>
    %add3A_92 = arith.addi %add3A_86, %add3A_91 : vector<16xi32>
    %swap3A_93 = arith.constant 0 : i32
    %swap3A_94 = arith.index_cast %swap3A_93 : i32 to index
    %swap3A_95 = arith.constant 32 : index
    %swap3A_96 = tpu.vector_load %arg6[%swap3A_94, %swap3A_95] {strides = array<i32>} : memref<4x128xi32, #tpu.memory_space<vmem>>, vector<1x16xi32>,
    %swap3A_97 = vector.shape_cast %swap3A_96 : vector<1x16xi32> to vector<16xi32>
    %swap3A_98 = vector.shape_cast %add3A_92 : vector<16xi32> to vector<1x16xi32>
    tpu.vector_store %arg6[%swap3A_94, %swap3A_95], %swap3A_98 {strides = array<i32>} : memref<4x128xi32, #tpu.memory_space<vmem>>, vector<1x16xi32>,
    %get3A_99 = arith.constant 48 : index
    %get3A_100 = tpu.vector_load %arg5[%get3A_99] {strides = array<i32>} : memref<512xi32, #tpu.memory_space<vmem>>, vector<16xi32>,
    %get3A_101 = vector.shape_cast %get3A_100 : vector<16xi32> to vector<16xi32>
    %add3A_102 = arith.addi %get3A_101, %mul3A_51 : vector<16xi32>
    %add3A_103 = arith.constant 48 : i32
    %add3A_104 = arith.addi %mul3A_2, %add3A_103 : i32
    %mul3A_105 = arith.constant 1024 : i32
    %mul3A_106 = arith.muli %add3A_104, %mul3A_105 : i32
    %add3A_107 = vector.broadcast %mul3A_106 : i32 to vector<16xi32>
    %add3A_108 = arith.addi %add3A_102, %add3A_107 : vector<16xi32>
    %swap3A_109 = arith.constant 0 : i32
    %swap3A_110 = arith.index_cast %swap3A_109 : i32 to index
    %swap3A_111 = arith.constant 48 : index
    %swap3A_112 = tpu.vector_load %arg6[%swap3A_110, %swap3A_111] {strides = array<i32>} : memref<4x128xi32, #tpu.memory_space<vmem>>, vector<1x16xi32>,
    %swap3A_113 = vector.shape_cast %swap3A_112 : vector<1x16xi32> to vector<16xi32>
    %swap3A_114 = vector.shape_cast %add3A_108 : vector<16xi32> to vector<1x16xi32>
    tpu.vector_store %arg6[%swap3A_110, %swap3A_111], %swap3A_114 {strides = array<i32>} : memref<4x128xi32, #tpu.memory_space<vmem>>, vector<1x16xi32>,
    %get3A_115 = arith.constant 64 : index
    %get3A_116 = tpu.vector_load %arg5[%get3A_115] {strides = array<i32>} : memref<512xi32, #tpu.memory_space<vmem>>, vector<16xi32>,
    %get3A_117 = vector.shape_cast %get3A_116 : vector<16xi32> to vector<16xi32>
    %add3A_118 = arith.addi %get3A_117, %mul3A_51 : vector<16xi32>
    %add3A_119 = arith.constant 64 : i32
    %add3A_120 = arith.addi %mul3A_2, %add3A_119 : i32
    %mul3A_121 = arith.constant 1024 : i32
    %mul3A_122 = arith.muli %add3A_120, %mul3A_121 : i32
    %add3A_123 = vector.broadcast %mul3A_122 : i32 to vector<16xi32>
    %add3A_124 = arith.addi %add3A_118, %add3A_123 : vector<16xi32>
    %swap3A_125 = arith.constant 0 : i32
    %swap3A_126 = arith.index_cast %swap3A_125 : i32 to index
    %swap3A_127 = arith.constant 64 : index
    %swap3A_128 = tpu.vector_load %arg6[%swap3A_126, %swap3A_127] {strides = array<i32>} : memref<4x128xi32, #tpu.memory_space<vmem>>, vector<1x16xi32>,
    %swap3A_129 = vector.shape_cast %swap3A_128 : vector<1x16xi32> to vector<16xi32>
    %swap3A_130 = vector.shape_cast %add3A_124 : vector<16xi32> to vector<1x16xi32>
    tpu.vector_store %arg6[%swap3A_126, %swap3A_127], %swap3A_130 {strides = array<i32>} : memref<4x128xi32, #tpu.memory_space<vmem>>, vector<1x16xi32>,
    %get3A_131 = arith.constant 80 : index
    %get3A_132 = tpu.vector_load %arg5[%get3A_131] {strides = array<i32>} : memref<512xi32, #tpu.memory_space<vmem>>, vector<16xi32>,
    %get3A_133 = vector.shape_cast %get3A_132 : vector<16xi32> to vector<16xi32>
    %add3A_134 = arith.addi %get3A_133, %mul3A_51 : vector<16xi32>
    %add3A_135 = arith.constant 80 : i32
    %add3A_136 = arith.addi %mul3A_2, %add3A_135 : i32
    %mul3A_137 = arith.constant 1024 : i32
    %mul3A_138 = arith.muli %add3A_136, %mul3A_137 : i32
    %add3A_139 = vector.broadcast %mul3A_138 : i32 to vector<16xi32>
    %add3A_140 = arith.addi %add3A_134, %add3A_139 : vector<16xi32>
    %swap3A_141 = arith.constant 0 : i32
    %swap3A_142 = arith.index_cast %swap3A_141 : i32 to index
    %swap3A_143 = arith.constant 80 : index
    %swap3A_144 = tpu.vector_load %arg6[%swap3A_142, %swap3A_143] {strides = array<i32>} : memref<4x128xi32, #tpu.memory_space<vmem>>, vector<1x16xi32>,
    %swap3A_145 = vector.shape_cast %swap3A_144 : vector<1x16xi32> to vector<16xi32>
    %swap3A_146 = vector.shape_cast %add3A_140 : vector<16xi32> to vector<1x16xi32>
    tpu.vector_store %arg6[%swap3A_142, %swap3A_143], %swap3A_146 {strides = array<i32>} : memref<4x128xi32, #tpu.memory_space<vmem>>, vector<1x16xi32>,
    %get3A_147 = arith.constant 96 : index
    %get3A_148 = tpu.vector_load %arg5[%get3A_147] {strides = array<i32>} : memref<512xi32, #tpu.memory_space<vmem>>, vector<16xi32>,
    %get3A_149 = vector.shape_cast %get3A_148 : vector<16xi32> to vector<16xi32>
    %add3A_150 = arith.addi %get3A_149, %mul3A_51 : vector<16xi32>
    %add3A_151 = arith.constant 96 : i32
    %add3A_152 = arith.addi %mul3A_2, %add3A_151 : i32
    %mul3A_153 = arith.constant 1024 : i32
    %mul3A_154 = arith.muli %add3A_152, %mul3A_153 : i32
    %add3A_155 = vector.broadcast %mul3A_154 : i32 to vector<16xi32>
    %add3A_156 = arith.addi %add3A_150, %add3A_155 : vector<16xi32>
    %swap3A_157 = arith.constant 0 : i32
    %swap3A_158 = arith.index_cast %swap3A_157 : i32 to index
    %swap3A_159 = arith.constant 96 : index
    %swap3A_160 = tpu.vector_load %arg6[%swap3A_158, %swap3A_159] {strides = array<i32>} : memref<4x128xi32, #tpu.memory_space<vmem>>, vector<1x16xi32>,
    %swap3A_161 = vector.shape_cast %swap3A_160 : vector<1x16xi32> to vector<16xi32>
    %swap3A_162 = vector.shape_cast %add3A_156 : vector<16xi32> to vector<1x16xi32>
    tpu.vector_store %arg6[%swap3A_158, %swap3A_159], %swap3A_162 {strides = array<i32>} : memref<4x128xi32, #tpu.memory_space<vmem>>, vector<1x16xi32>,
    %get3A_163 = arith.constant 112 : index
    %get3A_164 = tpu.vector_load %arg5[%get3A_163] {strides = array<i32>} : memref<512xi32, #tpu.memory_space<vmem>>, vector<16xi32>,
    %get3A_165 = vector.shape_cast %get3A_164 : vector<16xi32> to vector<16xi32>
    %add3A_166 = arith.addi %get3A_165, %mul3A_51 : vector<16xi32>
    %add3A_167 = arith.constant 112 : i32
    %add3A_168 = arith.addi %mul3A_2, %add3A_167 : i32
    %mul3A_169 = arith.constant 1024 : i32
    %mul3A_170 = arith.muli %add3A_168, %mul3A_169 : i32
    %add3A_171 = vector.broadcast %mul3A_170 : i32 to vector<16xi32>
    %add3A_172 = arith.addi %add3A_166, %add3A_171 : vector<16xi32>
    %swap3A_173 = arith.constant 0 : i32
    %swap3A_174 = arith.index_cast %swap3A_173 : i32 to index
    %swap3A_175 = arith.constant 112 : index
    %swap3A_176 = tpu.vector_load %arg6[%swap3A_174, %swap3A_175] {strides = array<i32>} : memref<4x128xi32, #tpu.memory_space<vmem>>, vector<1x16xi32>,
    %swap3A_177 = vector.shape_cast %swap3A_176 : vector<1x16xi32> to vector<16xi32>
    %swap3A_178 = vector.shape_cast %add3A_172 : vector<16xi32> to vector<1x16xi32>
    tpu.vector_store %arg6[%swap3A_174, %swap3A_175], %swap3A_178 {strides = array<i32>} : memref<4x128xi32, #tpu.memory_space<vmem>>, vector<1x16xi32>,
    %get3A_179 = arith.constant 128 : index
    %get3A_180 = tpu.vector_load %arg5[%get3A_179] {strides = array<i32>} : memref<512xi32, #tpu.memory_space<vmem>>, vector<16xi32>,
    %get3A_181 = vector.shape_cast %get3A_180 : vector<16xi32> to vector<16xi32>
    %add3A_182 = arith.addi %get3A_181, %mul3A_51 : vector<16xi32>
    %add3A_183 = arith.constant 128 : i32
    %add3A_184 = arith.addi %mul3A_2, %add3A_183 : i32
    %mul3A_185 = arith.constant 1024 : i32
    %mul3A_186 = arith.muli %add3A_184, %mul3A_185 : i32
    %add3A_187 = vector.broadcast %mul3A_186 : i32 to vector<16xi32>
    %add3A_188 = arith.addi %add3A_182, %add3A_187 : vector<16xi32>
    %swap3A_189 = arith.constant 1 : i32
    %swap3A_190 = arith.index_cast %swap3A_189 : i32 to index
    %swap3A_191 = arith.constant 0 : index
    %swap3A_192 = tpu.vector_load %arg6[%swap3A_190, %swap3A_191] {strides = array<i32>} : memref<4x128xi32, #tpu.memory_space<vmem>>, vector<1x16xi32>,
    %swap3A_193 = vector.shape_cast %swap3A_192 : vector<1x16xi32> to vector<16xi32>
    %swap3A_194 = vector.shape_cast %add3A_188 : vector<16xi32> to vector<1x16xi32>
    tpu.vector_store %arg6[%swap3A_190, %swap3A_191], %swap3A_194 {strides = array<i32>} : memref<4x128xi32, #tpu.memory_space<vmem>>, vector<1x16xi32>,
    %get3A_195 = arith.constant 144 : index
    %get3A_196 = tpu.vector_load %arg5[%get3A_195] {strides = array<i32>} : memref<512xi32, #tpu.memory_space<vmem>>, vector<16xi32>,
    %get3A_197 = vector.shape_cast %get3A_196 : vector<16xi32> to vector<16xi32>
    %add3A_198 = arith.addi %get3A_197, %mul3A_51 : vector<16xi32>
    %add3A_199 = arith.constant 144 : i32
    %add3A_200 = arith.addi %mul3A_2, %add3A_199 : i32
    %mul3A_201 = arith.constant 1024 : i32
    %mul3A_202 = arith.muli %add3A_200, %mul3A_201 : i32
    %add3A_203 = vector.broadcast %mul3A_202 : i32 to vector<16xi32>
    %add3A_204 = arith.addi %add3A_198, %add3A_203 : vector<16xi32>
    %swap3A_205 = arith.constant 1 : i32
    %swap3A_206 = arith.index_cast %swap3A_205 : i32 to index
    %swap3A_207 = arith.constant 16 : index
    %swap3A_208 = tpu.vector_load %arg6[%swap3A_206, %swap3A_207] {strides = array<i32>} : memref<4x128xi32, #tpu.memory_space<vmem>>, vector<1x16xi32>,
    %swap3A_209 = vector.shape_cast %swap3A_208 : vector<1x16xi32> to vector<16xi32>
    %swap3A_210 = vector.shape_cast %add3A_204 : vector<16xi32> to vector<1x16xi32>
    tpu.vector_store %arg6[%swap3A_206, %swap3A_207], %swap3A_210 {strides = array<i32>} : memref<4x128xi32, #tpu.memory_space<vmem>>, vector<1x16xi32>,
    %get3A_211 = arith.constant 160 : index
    %get3A_212 = tpu.vector_load %arg5[%get3A_211] {strides = array<i32>} : memref<512xi32, #tpu.memory_space<vmem>>, vector<16xi32>,
    %get3A_213 = vector.shape_cast %get3A_212 : vector<16xi32> to vector<16xi32>
    %add3A_214 = arith.addi %get3A_213, %mul3A_51 : vector<16xi32>
    %add3A_215 = arith.constant 160 : i32
    %add3A_216 = arith.addi %mul3A_2, %add3A_215 : i32
    %mul3A_217 = arith.constant 1024 : i32
    %mul3A_218 = arith.muli %add3A_216, %mul3A_217 : i32
    %add3A_219 = vector.broadcast %mul3A_218 : i32 to vector<16xi32>
    %add3A_220 = arith.addi %add3A_214, %add3A_219 : vector<16xi32>
    %swap3A_221 = arith.constant 1 : i32
    %swap3A_222 = arith.index_cast %swap3A_221 : i32 to index
    %swap3A_223 = arith.constant 32 : index
    %swap3A_224 = tpu.vector_load %arg6[%swap3A_222, %swap3A_223] {strides = array<i32>} : memref<4x128xi32, #tpu.memory_space<vmem>>, vector<1x16xi32>,
    %swap3A_225 = vector.shape_cast %swap3A_224 : vector<1x16xi32> to vector<16xi32>
    %swap3A_226 = vector.shape_cast %add3A_220 : vector<16xi32> to vector<1x16xi32>
    tpu.vector_store %arg6[%swap3A_222, %swap3A_223], %swap3A_226 {strides = array<i32>} : memref<4x128xi32, #tpu.memory_space<vmem>>, vector<1x16xi32>,
    %get3A_227 = arith.constant 176 : index
    %get3A_228 = tpu.vector_load %arg5[%get3A_227] {strides = array<i32>} : memref<512xi32, #tpu.memory_space<vmem>>, vector<16xi32>,
    %get3A_229 = vector.shape_cast %get3A_228 : vector<16xi32> to vector<16xi32>
    %add3A_230 = arith.addi %get3A_229, %mul3A_51 : vector<16xi32>
    %add3A_231 = arith.constant 176 : i32
    %add3A_232 = arith.addi %mul3A_2, %add3A_231 : i32
    %mul3A_233 = arith.constant 1024 : i32
    %mul3A_234 = arith.muli %add3A_232, %mul3A_233 : i32
    %add3A_235 = vector.broadcast %mul3A_234 : i32 to vector<16xi32>
    %add3A_236 = arith.addi %add3A_230, %add3A_235 : vector<16xi32>
    %swap3A_237 = arith.constant 1 : i32
    %swap3A_238 = arith.index_cast %swap3A_237 : i32 to index
    %swap3A_239 = arith.constant 48 : index
    %swap3A_240 = tpu.vector_load %arg6[%swap3A_238, %swap3A_239] {strides = array<i32>} : memref<4x128xi32, #tpu.memory_space<vmem>>, vector<1x16xi32>,
    %swap3A_241 = vector.shape_cast %swap3A_240 : vector<1x16xi32> to vector<16xi32>
    %swap3A_242 = vector.shape_cast %add3A_236 : vector<16xi32> to vector<1x16xi32>
    tpu.vector_store %arg6[%swap3A_238, %swap3A_239], %swap3A_242 {strides = array<i32>} : memref<4x128xi32, #tpu.memory_space<vmem>>, vector<1x16xi32>,
    %get3A_243 = arith.constant 192 : index
    %get3A_244 = tpu.vector_load %arg5[%get3A_243] {strides = array<i32>} : memref<512xi32, #tpu.memory_space<vmem>>, vector<16xi32>,
    %get3A_245 = vector.shape_cast %get3A_244 : vector<16xi32> to vector<16xi32>
    %add3A_246 = arith.addi %get3A_245, %mul3A_51 : vector<16xi32>
    %add3A_247 = arith.constant 192 : i32
    %add3A_248 = arith.addi %mul3A_2, %add3A_247 : i32
    %mul3A_249 = arith.constant 1024 : i32
    %mul3A_250 = arith.muli %add3A_248, %mul3A_249 : i32
    %add3A_251 = vector.broadcast %mul3A_250 : i32 to vector<16xi32>
    %add3A_252 = arith.addi %add3A_246, %add3A_251 : vector<16xi32>
    %swap3A_253 = arith.constant 1 : i32
    %swap3A_254 = arith.index_cast %swap3A_253 : i32 to index
    %swap3A_255 = arith.constant 64 : index
    %swap3A_256 = tpu.vector_load %arg6[%swap3A_254, %swap3A_255] {strides = array<i32>} : memref<4x128xi32, #tpu.memory_space<vmem>>, vector<1x16xi32>,
    %swap3A_257 = vector.shape_cast %swap3A_256 : vector<1x16xi32> to vector<16xi32>
    %swap3A_258 = vector.shape_cast %add3A_252 : vector<16xi32> to vector<1x16xi32>
    tpu.vector_store %arg6[%swap3A_254, %swap3A_255], %swap3A_258 {strides = array<i32>} : memref<4x128xi32, #tpu.memory_space<vmem>>, vector<1x16xi32>,
    %get3A_259 = arith.constant 208 : index
    %get3A_260 = tpu.vector_load %arg5[%get3A_259] {strides = array<i32>} : memref<512xi32, #tpu.memory_space<vmem>>, vector<16xi32>,
    %get3A_261 = vector.shape_cast %get3A_260 : vector<16xi32> to vector<16xi32>
    %add3A_262 = arith.addi %get3A_261, %mul3A_51 : vector<16xi32>
    %add3A_263 = arith.constant 208 : i32
    %add3A_264 = arith.addi %mul3A_2, %add3A_263 : i32
    %mul3A_265 = arith.constant 1024 : i32
    %mul3A_266 = arith.muli %add3A_264, %mul3A_265 : i32
    %add3A_267 = vector.broadcast %mul3A_266 : i32 to vector<16xi32>
    %add3A_268 = arith.addi %add3A_262, %add3A_267 : vector<16xi32>
    %swap3A_269 = arith.constant 1 : i32
    %swap3A_270 = arith.index_cast %swap3A_269 : i32 to index
    %swap3A_271 = arith.constant 80 : index
    %swap3A_272 = tpu.vector_load %arg6[%swap3A_270, %swap3A_271] {strides = array<i32>} : memref<4x128xi32, #tpu.memory_space<vmem>>, vector<1x16xi32>,
    %swap3A_273 = vector.shape_cast %swap3A_272 : vector<1x16xi32> to vector<16xi32>
    %swap3A_274 = vector.shape_cast %add3A_268 : vector<16xi32> to vector<1x16xi32>
    tpu.vector_store %arg6[%swap3A_270, %swap3A_271], %swap3A_274 {strides = array<i32>} : memref<4x128xi32, #tpu.memory_space<vmem>>, vector<1x16xi32>,
    %get3A_275 = arith.constant 224 : index
    %get3A_276 = tpu.vector_load %arg5[%get3A_275] {strides = array<i32>} : memref<512xi32, #tpu.memory_space<vmem>>, vector<16xi32>,
    %get3A_277 = vector.shape_cast %get3A_276 : vector<16xi32> to vector<16xi32>
    %add3A_278 = arith.addi %get3A_277, %mul3A_51 : vector<16xi32>
    %add3A_279 = arith.constant 224 : i32
    %add3A_280 = arith.addi %mul3A_2, %add3A_279 : i32
    %mul3A_281 = arith.constant 1024 : i32
    %mul3A_282 = arith.muli %add3A_280, %mul3A_281 : i32
    %add3A_283 = vector.broadcast %mul3A_282 : i32 to vector<16xi32>
    %add3A_284 = arith.addi %add3A_278, %add3A_283 : vector<16xi32>
    %swap3A_285 = arith.constant 1 : i32
    %swap3A_286 = arith.index_cast %swap3A_285 : i32 to index
    %swap3A_287 = arith.constant 96 : index
    %swap3A_288 = tpu.vector_load %arg6[%swap3A_286, %swap3A_287] {strides = array<i32>} : memref<4x128xi32, #tpu.memory_space<vmem>>, vector<1x16xi32>,
    %swap3A_289 = vector.shape_cast %swap3A_288 : vector<1x16xi32> to vector<16xi32>
    %swap3A_290 = vector.shape_cast %add3A_284 : vector<16xi32> to vector<1x16xi32>
    tpu.vector_store %arg6[%swap3A_286, %swap3A_287], %swap3A_290 {strides = array<i32>} : memref<4x128xi32, #tpu.memory_space<vmem>>, vector<1x16xi32>,
    %get3A_291 = arith.constant 240 : index
    %get3A_292 = tpu.vector_load %arg5[%get3A_291] {strides = array<i32>} : memref<512xi32, #tpu.memory_space<vmem>>, vector<16xi32>,
    %get3A_293 = vector.shape_cast %get3A_292 : vector<16xi32> to vector<16xi32>
    %add3A_294 = arith.addi %get3A_293, %mul3A_51 : vector<16xi32>
    %add3A_295 = arith.constant 240 : i32
    %add3A_296 = arith.addi %mul3A_2, %add3A_295 : i32
    %mul3A_297 = arith.constant 1024 : i32
    %mul3A_298 = arith.muli %add3A_296, %mul3A_297 : i32
    %add3A_299 = vector.broadcast %mul3A_298 : i32 to vector<16xi32>
    %add3A_300 = arith.addi %add3A_294, %add3A_299 : vector<16xi32>
    %swap3A_301 = arith.constant 1 : i32
    %swap3A_302 = arith.index_cast %swap3A_301 : i32 to index
    %swap3A_303 = arith.constant 112 : index
    %swap3A_304 = tpu.vector_load %arg6[%swap3A_302, %swap3A_303] {strides = array<i32>} : memref<4x128xi32, #tpu.memory_space<vmem>>, vector<1x16xi32>,
    %swap3A_305 = vector.shape_cast %swap3A_304 : vector<1x16xi32> to vector<16xi32>
    %swap3A_306 = vector.shape_cast %add3A_300 : vector<16xi32> to vector<1x16xi32>
    tpu.vector_store %arg6[%swap3A_302, %swap3A_303], %swap3A_306 {strides = array<i32>} : memref<4x128xi32, #tpu.memory_space<vmem>>, vector<1x16xi32>,
    %get3A_307 = arith.constant 256 : index
    %get3A_308 = tpu.vector_load %arg5[%get3A_307] {strides = array<i32>} : memref<512xi32, #tpu.memory_space<vmem>>, vector<16xi32>,
    %get3A_309 = vector.shape_cast %get3A_308 : vector<16xi32> to vector<16xi32>
    %add3A_310 = arith.addi %get3A_309, %mul3A_51 : vector<16xi32>
    %add3A_311 = arith.constant 256 : i32
    %add3A_312 = arith.addi %mul3A_2, %add3A_311 : i32
    %mul3A_313 = arith.constant 1024 : i32
    %mul3A_314 = arith.muli %add3A_312, %mul3A_313 : i32
    %add3A_315 = vector.broadcast %mul3A_314 : i32 to vector<16xi32>
    %add3A_316 = arith.addi %add3A_310, %add3A_315 : vector<16xi32>
    %swap3A_317 = arith.constant 2 : i32
    %swap3A_318 = arith.index_cast %swap3A_317 : i32 to index
    %swap3A_319 = arith.constant 0 : index
    %swap3A_320 = tpu.vector_load %arg6[%swap3A_318, %swap3A_319] {strides = array<i32>} : memref<4x128xi32, #tpu.memory_space<vmem>>, vector<1x16xi32>,
    %swap3A_321 = vector.shape_cast %swap3A_320 : vector<1x16xi32> to vector<16xi32>
    %swap3A_322 = vector.shape_cast %add3A_316 : vector<16xi32> to vector<1x16xi32>
    tpu.vector_store %arg6[%swap3A_318, %swap3A_319], %swap3A_322 {strides = array<i32>} : memref<4x128xi32, #tpu.memory_space<vmem>>, vector<1x16xi32>,
    %get3A_323 = arith.constant 272 : index
    %get3A_324 = tpu.vector_load %arg5[%get3A_323] {strides = array<i32>} : memref<512xi32, #tpu.memory_space<vmem>>, vector<16xi32>,
    %get3A_325 = vector.shape_cast %get3A_324 : vector<16xi32> to vector<16xi32>
    %add3A_326 = arith.addi %get3A_325, %mul3A_51 : vector<16xi32>
    %add3A_327 = arith.constant 272 : i32
    %add3A_328 = arith.addi %mul3A_2, %add3A_327 : i32
    %mul3A_329 = arith.constant 1024 : i32
    %mul3A_330 = arith.muli %add3A_328, %mul3A_329 : i32
    %add3A_331 = vector.broadcast %mul3A_330 : i32 to vector<16xi32>
    %add3A_332 = arith.addi %add3A_326, %add3A_331 : vector<16xi32>
    %swap3A_333 = arith.constant 2 : i32
    %swap3A_334 = arith.index_cast %swap3A_333 : i32 to index
    %swap3A_335 = arith.constant 16 : index
    %swap3A_336 = tpu.vector_load %arg6[%swap3A_334, %swap3A_335] {strides = array<i32>} : memref<4x128xi32, #tpu.memory_space<vmem>>, vector<1x16xi32>,
    %swap3A_337 = vector.shape_cast %swap3A_336 : vector<1x16xi32> to vector<16xi32>
    %swap3A_338 = vector.shape_cast %add3A_332 : vector<16xi32> to vector<1x16xi32>
    tpu.vector_store %arg6[%swap3A_334, %swap3A_335], %swap3A_338 {strides = array<i32>} : memref<4x128xi32, #tpu.memory_space<vmem>>, vector<1x16xi32>,
    %get3A_339 = arith.constant 288 : index
    %get3A_340 = tpu.vector_load %arg5[%get3A_339] {strides = array<i32>} : memref<512xi32, #tpu.memory_space<vmem>>, vector<16xi32>,
    %get3A_341 = vector.shape_cast %get3A_340 : vector<16xi32> to vector<16xi32>
    %add3A_342 = arith.addi %get3A_341, %mul3A_51 : vector<16xi32>
    %add3A_343 = arith.constant 288 : i32
    %add3A_344 = arith.addi %mul3A_2, %add3A_343 : i32
    %mul3A_345 = arith.constant 1024 : i32
    %mul3A_346 = arith.muli %add3A_344, %mul3A_345 : i32
    %add3A_347 = vector.broadcast %mul3A_346 : i32 to vector<16xi32>
    %add3A_348 = arith.addi %add3A_342, %add3A_347 : vector<16xi32>
    %swap3A_349 = arith.constant 2 : i32
    %swap3A_350 = arith.index_cast %swap3A_349 : i32 to index
    %swap3A_351 = arith.constant 32 : index
    %swap3A_352 = tpu.vector_load %arg6[%swap3A_350, %swap3A_351] {strides = array<i32>} : memref<4x128xi32, #tpu.memory_space<vmem>>, vector<1x16xi32>,
    %swap3A_353 = vector.shape_cast %swap3A_352 : vector<1x16xi32> to vector<16xi32>
    %swap3A_354 = vector.shape_cast %add3A_348 : vector<16xi32> to vector<1x16xi32>
    tpu.vector_store %arg6[%swap3A_350, %swap3A_351], %swap3A_354 {strides = array<i32>} : memref<4x128xi32, #tpu.memory_space<vmem>>, vector<1x16xi32>,
    %get3A_355 = arith.constant 304 : index
    %get3A_356 = tpu.vector_load %arg5[%get3A_355] {strides = array<i32>} : memref<512xi32, #tpu.memory_space<vmem>>, vector<16xi32>,
    %get3A_357 = vector.shape_cast %get3A_356 : vector<16xi32> to vector<16xi32>
    %add3A_358 = arith.addi %get3A_357, %mul3A_51 : vector<16xi32>
    %add3A_359 = arith.constant 304 : i32
    %add3A_360 = arith.addi %mul3A_2, %add3A_359 : i32
    %mul3A_361 = arith.constant 1024 : i32
    %mul3A_362 = arith.muli %add3A_360, %mul3A_361 : i32
    %add3A_363 = vector.broadcast %mul3A_362 : i32 to vector<16xi32>
    %add3A_364 = arith.addi %add3A_358, %add3A_363 : vector<16xi32>
    %swap3A_365 = arith.constant 2 : i32
    %swap3A_366 = arith.index_cast %swap3A_365 : i32 to index
    %swap3A_367 = arith.constant 48 : index
    %swap3A_368 = tpu.vector_load %arg6[%swap3A_366, %swap3A_367] {strides = array<i32>} : memref<4x128xi32, #tpu.memory_space<vmem>>, vector<1x16xi32>,
    %swap3A_369 = vector.shape_cast %swap3A_368 : vector<1x16xi32> to vector<16xi32>
    %swap3A_370 = vector.shape_cast %add3A_364 : vector<16xi32> to vector<1x16xi32>
    tpu.vector_store %arg6[%swap3A_366, %swap3A_367], %swap3A_370 {strides = array<i32>} : memref<4x128xi32, #tpu.memory_space<vmem>>, vector<1x16xi32>,
    %get3A_371 = arith.constant 320 : index
    %get3A_372 = tpu.vector_load %arg5[%get3A_371] {strides = array<i32>} : memref<512xi32, #tpu.memory_space<vmem>>, vector<16xi32>,
    %get3A_373 = vector.shape_cast %get3A_372 : vector<16xi32> to vector<16xi32>
    %add3A_374 = arith.addi %get3A_373, %mul3A_51 : vector<16xi32>
    %add3A_375 = arith.constant 320 : i32
    %add3A_376 = arith.addi %mul3A_2, %add3A_375 : i32
    %mul3A_377 = arith.constant 1024 : i32
    %mul3A_378 = arith.muli %add3A_376, %mul3A_377 : i32
    %add3A_379 = vector.broadcast %mul3A_378 : i32 to vector<16xi32>
    %add3A_380 = arith.addi %add3A_374, %add3A_379 : vector<16xi32>
    %swap3A_381 = arith.constant 2 : i32
    %swap3A_382 = arith.index_cast %swap3A_381 : i32 to index
    %swap3A_383 = arith.constant 64 : index
    %swap3A_384 = tpu.vector_load %arg6[%swap3A_382, %swap3A_383] {strides = array<i32>} : memref<4x128xi32, #tpu.memory_space<vmem>>, vector<1x16xi32>,
    %swap3A_385 = vector.shape_cast %swap3A_384 : vector<1x16xi32> to vector<16xi32>
    %swap3A_386 = vector.shape_cast %add3A_380 : vector<16xi32> to vector<1x16xi32>
    tpu.vector_store %arg6[%swap3A_382, %swap3A_383], %swap3A_386 {strides = array<i32>} : memref<4x128xi32, #tpu.memory_space<vmem>>, vector<1x16xi32>,
    %get3A_387 = arith.constant 336 : index
    %get3A_388 = tpu.vector_load %arg5[%get3A_387] {strides = array<i32>} : memref<512xi32, #tpu.memory_space<vmem>>, vector<16xi32>,
    %get3A_389 = vector.shape_cast %get3A_388 : vector<16xi32> to vector<16xi32>
    %add3A_390 = arith.addi %get3A_389, %mul3A_51 : vector<16xi32>
    %add3A_391 = arith.constant 336 : i32
    %add3A_392 = arith.addi %mul3A_2, %add3A_391 : i32
    %mul3A_393 = arith.constant 1024 : i32
    %mul3A_394 = arith.muli %add3A_392, %mul3A_393 : i32
    %add3A_395 = vector.broadcast %mul3A_394 : i32 to vector<16xi32>
    %add3A_396 = arith.addi %add3A_390, %add3A_395 : vector<16xi32>
    %swap3A_397 = arith.constant 2 : i32
    %swap3A_398 = arith.index_cast %swap3A_397 : i32 to index
    %swap3A_399 = arith.constant 80 : index
    %swap3A_400 = tpu.vector_load %arg6[%swap3A_398, %swap3A_399] {strides = array<i32>} : memref<4x128xi32, #tpu.memory_space<vmem>>, vector<1x16xi32>,
    %swap3A_401 = vector.shape_cast %swap3A_400 : vector<1x16xi32> to vector<16xi32>
    %swap3A_402 = vector.shape_cast %add3A_396 : vector<16xi32> to vector<1x16xi32>
    tpu.vector_store %arg6[%swap3A_398, %swap3A_399], %swap3A_402 {strides = array<i32>} : memref<4x128xi32, #tpu.memory_space<vmem>>, vector<1x16xi32>,
    %get3A_403 = arith.constant 352 : index
    %get3A_404 = tpu.vector_load %arg5[%get3A_403] {strides = array<i32>} : memref<512xi32, #tpu.memory_space<vmem>>, vector<16xi32>,
    %get3A_405 = vector.shape_cast %get3A_404 : vector<16xi32> to vector<16xi32>
    %add3A_406 = arith.addi %get3A_405, %mul3A_51 : vector<16xi32>
    %add3A_407 = arith.constant 352 : i32
    %add3A_408 = arith.addi %mul3A_2, %add3A_407 : i32
    %mul3A_409 = arith.constant 1024 : i32
    %mul3A_410 = arith.muli %add3A_408, %mul3A_409 : i32
    %add3A_411 = vector.broadcast %mul3A_410 : i32 to vector<16xi32>
    %add3A_412 = arith.addi %add3A_406, %add3A_411 : vector<16xi32>
    %swap3A_413 = arith.constant 2 : i32
    %swap3A_414 = arith.index_cast %swap3A_413 : i32 to index
    %swap3A_415 = arith.constant 96 : index
    %swap3A_416 = tpu.vector_load %arg6[%swap3A_414, %swap3A_415] {strides = array<i32>} : memref<4x128xi32, #tpu.memory_space<vmem>>, vector<1x16xi32>,
    %swap3A_417 = vector.shape_cast %swap3A_416 : vector<1x16xi32> to vector<16xi32>
    %swap3A_418 = vector.shape_cast %add3A_412 : vector<16xi32> to vector<1x16xi32>
    tpu.vector_store %arg6[%swap3A_414, %swap3A_415], %swap3A_418 {strides = array<i32>} : memref<4x128xi32, #tpu.memory_space<vmem>>, vector<1x16xi32>,
    %get3A_419 = arith.constant 368 : index
    %get3A_420 = tpu.vector_load %arg5[%get3A_419] {strides = array<i32>} : memref<512xi32, #tpu.memory_space<vmem>>, vector<16xi32>,
    %get3A_421 = vector.shape_cast %get3A_420 : vector<16xi32> to vector<16xi32>
    %add3A_422 = arith.addi %get3A_421, %mul3A_51 : vector<16xi32>
    %add3A_423 = arith.constant 368 : i32
    %add3A_424 = arith.addi %mul3A_2, %add3A_423 : i32
    %mul3A_425 = arith.constant 1024 : i32
    %mul3A_426 = arith.muli %add3A_424, %mul3A_425 : i32
    %add3A_427 = vector.broadcast %mul3A_426 : i32 to vector<16xi32>
    %add3A_428 = arith.addi %add3A_422, %add3A_427 : vector<16xi32>
    %swap3A_429 = arith.constant 2 : i32
    %swap3A_430 = arith.index_cast %swap3A_429 : i32 to index
    %swap3A_431 = arith.constant 112 : index
    %swap3A_432 = tpu.vector_load %arg6[%swap3A_430, %swap3A_431] {strides = array<i32>} : memref<4x128xi32, #tpu.memory_space<vmem>>, vector<1x16xi32>,
    %swap3A_433 = vector.shape_cast %swap3A_432 : vector<1x16xi32> to vector<16xi32>
    %swap3A_434 = vector.shape_cast %add3A_428 : vector<16xi32> to vector<1x16xi32>
    tpu.vector_store %arg6[%swap3A_430, %swap3A_431], %swap3A_434 {strides = array<i32>} : memref<4x128xi32, #tpu.memory_space<vmem>>, vector<1x16xi32>,
    %get3A_435 = arith.constant 384 : index
    %get3A_436 = tpu.vector_load %arg5[%get3A_435] {strides = array<i32>} : memref<512xi32, #tpu.memory_space<vmem>>, vector<16xi32>,
    %get3A_437 = vector.shape_cast %get3A_436 : vector<16xi32> to vector<16xi32>
    %add3A_438 = arith.addi %get3A_437, %mul3A_51 : vector<16xi32>
    %add3A_439 = arith.constant 384 : i32
    %add3A_440 = arith.addi %mul3A_2, %add3A_439 : i32
    %mul3A_441 = arith.constant 1024 : i32
    %mul3A_442 = arith.muli %add3A_440, %mul3A_441 : i32
    %add3A_443 = vector.broadcast %mul3A_442 : i32 to vector<16xi32>
    %add3A_444 = arith.addi %add3A_438, %add3A_443 : vector<16xi32>
    %swap3A_445 = arith.constant 3 : i32
    %swap3A_446 = arith.index_cast %swap3A_445 : i32 to index
    %swap3A_447 = arith.constant 0 : index
    %swap3A_448 = tpu.vector_load %arg6[%swap3A_446, %swap3A_447] {strides = array<i32>} : memref<4x128xi32, #tpu.memory_space<vmem>>, vector<1x16xi32>,
    %swap3A_449 = vector.shape_cast %swap3A_448 : vector<1x16xi32> to vector<16xi32>
    %swap3A_450 = vector.shape_cast %add3A_444 : vector<16xi32> to vector<1x16xi32>
    tpu.vector_store %arg6[%swap3A_446, %swap3A_447], %swap3A_450 {strides = array<i32>} : memref<4x128xi32, #tpu.memory_space<vmem>>, vector<1x16xi32>,
    %get3A_451 = arith.constant 400 : index
    %get3A_452 = tpu.vector_load %arg5[%get3A_451] {strides = array<i32>} : memref<512xi32, #tpu.memory_space<vmem>>, vector<16xi32>,
    %get3A_453 = vector.shape_cast %get3A_452 : vector<16xi32> to vector<16xi32>
    %add3A_454 = arith.addi %get3A_453, %mul3A_51 : vector<16xi32>
    %add3A_455 = arith.constant 400 : i32
    %add3A_456 = arith.addi %mul3A_2, %add3A_455 : i32
    %mul3A_457 = arith.constant 1024 : i32
    %mul3A_458 = arith.muli %add3A_456, %mul3A_457 : i32
    %add3A_459 = vector.broadcast %mul3A_458 : i32 to vector<16xi32>
    %add3A_460 = arith.addi %add3A_454, %add3A_459 : vector<16xi32>
    %swap3A_461 = arith.constant 3 : i32
    %swap3A_462 = arith.index_cast %swap3A_461 : i32 to index
    %swap3A_463 = arith.constant 16 : index
    %swap3A_464 = tpu.vector_load %arg6[%swap3A_462, %swap3A_463] {strides = array<i32>} : memref<4x128xi32, #tpu.memory_space<vmem>>, vector<1x16xi32>,
    %swap3A_465 = vector.shape_cast %swap3A_464 : vector<1x16xi32> to vector<16xi32>
    %swap3A_466 = vector.shape_cast %add3A_460 : vector<16xi32> to vector<1x16xi32>
    tpu.vector_store %arg6[%swap3A_462, %swap3A_463], %swap3A_466 {strides = array<i32>} : memref<4x128xi32, #tpu.memory_space<vmem>>, vector<1x16xi32>,
    %get3A_467 = arith.constant 416 : index
    %get3A_468 = tpu.vector_load %arg5[%get3A_467] {strides = array<i32>} : memref<512xi32, #tpu.memory_space<vmem>>, vector<16xi32>,
    %get3A_469 = vector.shape_cast %get3A_468 : vector<16xi32> to vector<16xi32>
    %add3A_470 = arith.addi %get3A_469, %mul3A_51 : vector<16xi32>
    %add3A_471 = arith.constant 416 : i32
    %add3A_472 = arith.addi %mul3A_2, %add3A_471 : i32
    %mul3A_473 = arith.constant 1024 : i32
    %mul3A_474 = arith.muli %add3A_472, %mul3A_473 : i32
    %add3A_475 = vector.broadcast %mul3A_474 : i32 to vector<16xi32>
    %add3A_476 = arith.addi %add3A_470, %add3A_475 : vector<16xi32>
    %swap3A_477 = arith.constant 3 : i32
    %swap3A_478 = arith.index_cast %swap3A_477 : i32 to index
    %swap3A_479 = arith.constant 32 : index
    %swap3A_480 = tpu.vector_load %arg6[%swap3A_478, %swap3A_479] {strides = array<i32>} : memref<4x128xi32, #tpu.memory_space<vmem>>, vector<1x16xi32>,
    %swap3A_481 = vector.shape_cast %swap3A_480 : vector<1x16xi32> to vector<16xi32>
    %swap3A_482 = vector.shape_cast %add3A_476 : vector<16xi32> to vector<1x16xi32>
    tpu.vector_store %arg6[%swap3A_478, %swap3A_479], %swap3A_482 {strides = array<i32>} : memref<4x128xi32, #tpu.memory_space<vmem>>, vector<1x16xi32>,
    %get3A_483 = arith.constant 432 : index
    %get3A_484 = tpu.vector_load %arg5[%get3A_483] {strides = array<i32>} : memref<512xi32, #tpu.memory_space<vmem>>, vector<16xi32>,
    %get3A_485 = vector.shape_cast %get3A_484 : vector<16xi32> to vector<16xi32>
    %add3A_486 = arith.addi %get3A_485, %mul3A_51 : vector<16xi32>
    %add3A_487 = arith.constant 432 : i32
    %add3A_488 = arith.addi %mul3A_2, %add3A_487 : i32
    %mul3A_489 = arith.constant 1024 : i32
    %mul3A_490 = arith.muli %add3A_488, %mul3A_489 : i32
    %add3A_491 = vector.broadcast %mul3A_490 : i32 to vector<16xi32>
    %add3A_492 = arith.addi %add3A_486, %add3A_491 : vector<16xi32>
    %swap3A_493 = arith.constant 3 : i32
    %swap3A_494 = arith.index_cast %swap3A_493 : i32 to index
    %swap3A_495 = arith.constant 48 : index
    %swap3A_496 = tpu.vector_load %arg6[%swap3A_494, %swap3A_495] {strides = array<i32>} : memref<4x128xi32, #tpu.memory_space<vmem>>, vector<1x16xi32>,
    %swap3A_497 = vector.shape_cast %swap3A_496 : vector<1x16xi32> to vector<16xi32>
    %swap3A_498 = vector.shape_cast %add3A_492 : vector<16xi32> to vector<1x16xi32>
    tpu.vector_store %arg6[%swap3A_494, %swap3A_495], %swap3A_498 {strides = array<i32>} : memref<4x128xi32, #tpu.memory_space<vmem>>, vector<1x16xi32>,
    %get3A_499 = arith.constant 448 : index
    %get3A_500 = tpu.vector_load %arg5[%get3A_499] {strides = array<i32>} : memref<512xi32, #tpu.memory_space<vmem>>, vector<16xi32>,
    %get3A_501 = vector.shape_cast %get3A_500 : vector<16xi32> to vector<16xi32>
    %add3A_502 = arith.addi %get3A_501, %mul3A_51 : vector<16xi32>
    %add3A_503 = arith.constant 448 : i32
    %add3A_504 = arith.addi %mul3A_2, %add3A_503 : i32
    %mul3A_505 = arith.constant 1024 : i32
    %mul3A_506 = arith.muli %add3A_504, %mul3A_505 : i32
    %add3A_507 = vector.broadcast %mul3A_506 : i32 to vector<16xi32>
    %add3A_508 = arith.addi %add3A_502, %add3A_507 : vector<16xi32>
    %swap3A_509 = arith.constant 3 : i32
    %swap3A_510 = arith.index_cast %swap3A_509 : i32 to index
    %swap3A_511 = arith.constant 64 : index
    %swap3A_512 = tpu.vector_load %arg6[%swap3A_510, %swap3A_511] {strides = array<i32>} : memref<4x128xi32, #tpu.memory_space<vmem>>, vector<1x16xi32>,
    %swap3A_513 = vector.shape_cast %swap3A_512 : vector<1x16xi32> to vector<16xi32>
    %swap3A_514 = vector.shape_cast %add3A_508 : vector<16xi32> to vector<1x16xi32>
    tpu.vector_store %arg6[%swap3A_510, %swap3A_511], %swap3A_514 {strides = array<i32>} : memref<4x128xi32, #tpu.memory_space<vmem>>, vector<1x16xi32>,
    %get3A_515 = arith.constant 464 : index
    %get3A_516 = tpu.vector_load %arg5[%get3A_515] {strides = array<i32>} : memref<512xi32, #tpu.memory_space<vmem>>, vector<16xi32>,
    %get3A_517 = vector.shape_cast %get3A_516 : vector<16xi32> to vector<16xi32>
    %add3A_518 = arith.addi %get3A_517, %mul3A_51 : vector<16xi32>
    %add3A_519 = arith.constant 464 : i32
    %add3A_520 = arith.addi %mul3A_2, %add3A_519 : i32
    %mul3A_521 = arith.constant 1024 : i32
    %mul3A_522 = arith.muli %add3A_520, %mul3A_521 : i32
    %add3A_523 = vector.broadcast %mul3A_522 : i32 to vector<16xi32>
    %add3A_524 = arith.addi %add3A_518, %add3A_523 : vector<16xi32>
    %swap3A_525 = arith.constant 3 : i32
    %swap3A_526 = arith.index_cast %swap3A_525 : i32 to index
    %swap3A_527 = arith.constant 80 : index
    %swap3A_528 = tpu.vector_load %arg6[%swap3A_526, %swap3A_527] {strides = array<i32>} : memref<4x128xi32, #tpu.memory_space<vmem>>, vector<1x16xi32>,
    %swap3A_529 = vector.shape_cast %swap3A_528 : vector<1x16xi32> to vector<16xi32>
    %swap3A_530 = vector.shape_cast %add3A_524 : vector<16xi32> to vector<1x16xi32>
    tpu.vector_store %arg6[%swap3A_526, %swap3A_527], %swap3A_530 {strides = array<i32>} : memref<4x128xi32, #tpu.memory_space<vmem>>, vector<1x16xi32>,
    %get3A_531 = arith.constant 480 : index
    %get3A_532 = tpu.vector_load %arg5[%get3A_531] {strides = array<i32>} : memref<512xi32, #tpu.memory_space<vmem>>, vector<16xi32>,
    %get3A_533 = vector.shape_cast %get3A_532 : vector<16xi32> to vector<16xi32>
    %add3A_534 = arith.addi %get3A_533, %mul3A_51 : vector<16xi32>
    %add3A_535 = arith.constant 480 : i32
    %add3A_536 = arith.addi %mul3A_2, %add3A_535 : i32
    %mul3A_537 = arith.constant 1024 : i32
    %mul3A_538 = arith.muli %add3A_536, %mul3A_537 : i32
    %add3A_539 = vector.broadcast %mul3A_538 : i32 to vector<16xi32>
    %add3A_540 = arith.addi %add3A_534, %add3A_539 : vector<16xi32>
    %swap3A_541 = arith.constant 3 : i32
    %swap3A_542 = arith.index_cast %swap3A_541 : i32 to index
    %swap3A_543 = arith.constant 96 : index
    %swap3A_544 = tpu.vector_load %arg6[%swap3A_542, %swap3A_543] {strides = array<i32>} : memref<4x128xi32, #tpu.memory_space<vmem>>, vector<1x16xi32>,
    %swap3A_545 = vector.shape_cast %swap3A_544 : vector<1x16xi32> to vector<16xi32>
    %swap3A_546 = vector.shape_cast %add3A_540 : vector<16xi32> to vector<1x16xi32>
    tpu.vector_store %arg6[%swap3A_542, %swap3A_543], %swap3A_546 {strides = array<i32>} : memref<4x128xi32, #tpu.memory_space<vmem>>, vector<1x16xi32>,
    %get3A_547 = arith.constant 496 : index
    %get3A_548 = tpu.vector_load %arg5[%get3A_547] {strides = array<i32>} : memref<512xi32, #tpu.memory_space<vmem>>, vector<16xi32>,
    %get3A_549 = vector.shape_cast %get3A_548 : vector<16xi32> to vector<16xi32>
    %add3A_550 = arith.addi %get3A_549, %mul3A_51 : vector<16xi32>
    %add3A_551 = arith.constant 496 : i32
    %add3A_552 = arith.addi %mul3A_2, %add3A_551 : i32
    %mul3A_553 = arith.constant 1024 : i32
    %mul3A_554 = arith.muli %add3A_552, %mul3A_553 : i32
    %add3A_555 = vector.broadcast %mul3A_554 : i32 to vector<16xi32>
    %add3A_556 = arith.addi %add3A_550, %add3A_555 : vector<16xi32>
    %swap3A_557 = arith.constant 3 : i32
    %swap3A_558 = arith.index_cast %swap3A_557 : i32 to index
    %swap3A_559 = arith.constant 112 : index
    %swap3A_560 = tpu.vector_load %arg6[%swap3A_558, %swap3A_559] {strides = array<i32>} : memref<4x128xi32, #tpu.memory_space<vmem>>, vector<1x16xi32>,
    %swap3A_561 = vector.shape_cast %swap3A_560 : vector<1x16xi32> to vector<16xi32>
    %swap3A_562 = vector.shape_cast %add3A_556 : vector<16xi32> to vector<1x16xi32>
    tpu.vector_store %arg6[%swap3A_558, %swap3A_559], %swap3A_562 {strides = array<i32>} : memref<4x128xi32, #tpu.memory_space<vmem>>, vector<1x16xi32>,
    %dma_start3A = arith.constant 0 : i32
    %dma_start3A_563 = arith.constant 0 : i32
    %dma_start3A_564 = tpu.memref_slice %arg6[%dma_start3A, %dma_start3A_563] : memref<4x128xi32, #tpu.memory_space<vmem>> -> memref<1x128xi32, #tpu.memory_space<vmem>>
    %dma_start3A_565 = tpu.memref_squeeze %dma_start3A_564 : memref<1x128xi32, #tpu.memory_space<vmem>> -> memref<128xi32, #tpu.memory_space<vmem>>
    %dma_start3A_566 = arith.constant 0 : i32
    %dma_start3A_567 = tpu.memref_slice %arg2[%dma_start3A_566] : memref<16777216xf32, #tpu.memory_space<hbm>> -> memref<16777216xf32, #tpu.memory_space<hbm>>
    tpu.enqueue_indirect_dma source(%arg7 : memref<128xf32, #tpu.memory_space<vmem>>) target(%dma_start3A_567 : memref<16777216xf32, #tpu.memory_space<hbm>>) offsets(%dma_start3A_565 : memref<128xi32, #tpu.memory_space<vmem>>) semaphore(%arg8 : memref<!tpu.dma_semaphore, #tpu.memory_space<semaphore_mem>>)
    %dma_start3A_568 = arith.constant 1 : i32
    %dma_start3A_569 = arith.constant 0 : i32
    %dma_start3A_570 = tpu.memref_slice %arg6[%dma_start3A_568, %dma_start3A_569] : memref<4x128xi32, #tpu.memory_space<vmem>> -> memref<1x128xi32, #tpu.memory_space<vmem>>
    %dma_start3A_571 = tpu.memref_squeeze %dma_start3A_570 : memref<1x128xi32, #tpu.memory_space<vmem>> -> memref<128xi32, #tpu.memory_space<vmem>>
    %dma_start3A_572 = arith.constant 0 : i32
    %dma_start3A_573 = tpu.memref_slice %arg2[%dma_start3A_572] : memref<16777216xf32, #tpu.memory_space<hbm>> -> memref<16777216xf32, #tpu.memory_space<hbm>>
    tpu.enqueue_indirect_dma source(%arg7 : memref<128xf32, #tpu.memory_space<vmem>>) target(%dma_start3A_573 : memref<16777216xf32, #tpu.memory_space<hbm>>) offsets(%dma_start3A_571 : memref<128xi32, #tpu.memory_space<vmem>>) semaphore(%arg8 : memref<!tpu.dma_semaphore, #tpu.memory_space<semaphore_mem>>)
    %dma_start3A_574 = arith.constant 2 : i32
    %dma_start3A_575 = arith.constant 0 : i32
    %dma_start3A_576 = tpu.memref_slice %arg6[%dma_start3A_574, %dma_start3A_575] : memref<4x128xi32, #tpu.memory_space<vmem>> -> memref<1x128xi32, #tpu.memory_space<vmem>>
    %dma_start3A_577 = tpu.memref_squeeze %dma_start3A_576 : memref<1x128xi32, #tpu.memory_space<vmem>> -> memref<128xi32, #tpu.memory_space<vmem>>
    %dma_start3A_578 = arith.constant 0 : i32
    %dma_start3A_579 = tpu.memref_slice %arg2[%dma_start3A_578] : memref<16777216xf32, #tpu.memory_space<hbm>> -> memref<16777216xf32, #tpu.memory_space<hbm>>
    tpu.enqueue_indirect_dma source(%arg7 : memref<128xf32, #tpu.memory_space<vmem>>) target(%dma_start3A_579 : memref<16777216xf32, #tpu.memory_space<hbm>>) offsets(%dma_start3A_577 : memref<128xi32, #tpu.memory_space<vmem>>) semaphore(%arg8 : memref<!tpu.dma_semaphore, #tpu.memory_space<semaphore_mem>>)
    %dma_start3A_580 = arith.constant 3 : i32
    %dma_start3A_581 = arith.constant 0 : i32
    %dma_start3A_582 = tpu.memref_slice %arg6[%dma_start3A_580, %dma_start3A_581] : memref<4x128xi32, #tpu.memory_space<vmem>> -> memref<1x128xi32, #tpu.memory_space<vmem>>
    %dma_start3A_583 = tpu.memref_squeeze %dma_start3A_582 : memref<1x128xi32, #tpu.memory_space<vmem>> -> memref<128xi32, #tpu.memory_space<vmem>>
    %dma_start3A_584 = arith.constant 0 : i32
    %dma_start3A_585 = tpu.memref_slice %arg2[%dma_start3A_584] : memref<16777216xf32, #tpu.memory_space<hbm>> -> memref<16777216xf32, #tpu.memory_space<hbm>>
    tpu.enqueue_indirect_dma source(%arg7 : memref<128xf32, #tpu.memory_space<vmem>>) target(%dma_start3A_585 : memref<16777216xf32, #tpu.memory_space<hbm>>) offsets(%dma_start3A_583 : memref<128xi32, #tpu.memory_space<vmem>>) semaphore(%arg8 : memref<!tpu.dma_semaphore, #tpu.memory_space<semaphore_mem>>)
    %dma_wait3A = arith.constant 0 : i32
    %dma_wait3A_586 = arith.constant 0 : i32
    %dma_wait3A_587 = tpu.memref_slice %arg6[%dma_wait3A, %dma_wait3A_586] : memref<4x128xi32, #tpu.memory_space<vmem>> -> memref<1x128xi32, #tpu.memory_space<vmem>>
    %dma_wait3A_588 = tpu.memref_squeeze %dma_wait3A_587 : memref<1x128xi32, #tpu.memory_space<vmem>> -> memref<128xi32, #tpu.memory_space<vmem>>
    %dma_wait3A_589 = arith.constant 0 : i32
    %dma_wait3A_590 = tpu.memref_slice %arg2[%dma_wait3A_589] : memref<16777216xf32, #tpu.memory_space<hbm>> -> memref<16777216xf32, #tpu.memory_space<hbm>>
    tpu.wait_indirect_dma semaphore(%arg8 : memref<!tpu.dma_semaphore, #tpu.memory_space<semaphore_mem>>) src(%arg7 : memref<128xf32, #tpu.memory_space<vmem>>) dst(%dma_wait3A_590 : memref<16777216xf32, #tpu.memory_space<hbm>>)
    %dma_wait3A_591 = arith.constant 1 : i32
    %dma_wait3A_592 = arith.constant 0 : i32
    %dma_wait3A_593 = tpu.memref_slice %arg6[%dma_wait3A_591, %dma_wait3A_592] : memref<4x128xi32, #tpu.memory_space<vmem>> -> memref<1x128xi32, #tpu.memory_space<vmem>>
    %dma_wait3A_594 = tpu.memref_squeeze %dma_wait3A_593 : memref<1x128xi32, #tpu.memory_space<vmem>> -> memref<128xi32, #tpu.memory_space<vmem>>
    %dma_wait3A_595 = arith.constant 0 : i32
    %dma_wait3A_596 = tpu.memref_slice %arg2[%dma_wait3A_595] : memref<16777216xf32, #tpu.memory_space<hbm>> -> memref<16777216xf32, #tpu.memory_space<hbm>>
    tpu.wait_indirect_dma semaphore(%arg8 : memref<!tpu.dma_semaphore, #tpu.memory_space<semaphore_mem>>) src(%arg7 : memref<128xf32, #tpu.memory_space<vmem>>) dst(%dma_wait3A_596 : memref<16777216xf32, #tpu.memory_space<hbm>>)
    %dma_wait3A_597 = arith.constant 2 : i32
    %dma_wait3A_598 = arith.constant 0 : i32
    %dma_wait3A_599 = tpu.memref_slice %arg6[%dma_wait3A_597, %dma_wait3A_598] : memref<4x128xi32, #tpu.memory_space<vmem>> -> memref<1x128xi32, #tpu.memory_space<vmem>>
    %dma_wait3A_600 = tpu.memref_squeeze %dma_wait3A_599 : memref<1x128xi32, #tpu.memory_space<vmem>> -> memref<128xi32, #tpu.memory_space<vmem>>
    %dma_wait3A_601 = arith.constant 0 : i32
    %dma_wait3A_602 = tpu.memref_slice %arg2[%dma_wait3A_601] : memref<16777216xf32, #tpu.memory_space<hbm>> -> memref<16777216xf32, #tpu.memory_space<hbm>>
    tpu.wait_indirect_dma semaphore(%arg8 : memref<!tpu.dma_semaphore, #tpu.memory_space<semaphore_mem>>) src(%arg7 : memref<128xf32, #tpu.memory_space<vmem>>) dst(%dma_wait3A_602 : memref<16777216xf32, #tpu.memory_space<hbm>>)
    %dma_wait3A_603 = arith.constant 3 : i32
    %dma_wait3A_604 = arith.constant 0 : i32
    %dma_wait3A_605 = tpu.memref_slice %arg6[%dma_wait3A_603, %dma_wait3A_604] : memref<4x128xi32, #tpu.memory_space<vmem>> -> memref<1x128xi32, #tpu.memory_space<vmem>>
    %dma_wait3A_606 = tpu.memref_squeeze %dma_wait3A_605 : memref<1x128xi32, #tpu.memory_space<vmem>> -> memref<128xi32, #tpu.memory_space<vmem>>
    %dma_wait3A_607 = arith.constant 0 : i32
    %dma_wait3A_608 = tpu.memref_slice %arg2[%dma_wait3A_607] : memref<16777216xf32, #tpu.memory_space<hbm>> -> memref<16777216xf32, #tpu.memory_space<hbm>>
    tpu.wait_indirect_dma semaphore(%arg8 : memref<!tpu.dma_semaphore, #tpu.memory_space<semaphore_mem>>) src(%arg7 : memref<128xf32, #tpu.memory_space<vmem>>) dst(%dma_wait3A_608 : memref<16777216xf32, #tpu.memory_space<hbm>>)
    return
  }
}

#map = affine_map<(d0, d1) -> (0)>
module attributes {stable_mosaic.version = 14 : i64} {
  func.func @_sc_fill(%arg0: i32, %arg1: i32, %arg2: memref<16777216xf32, #tpu.memory_space<hbm>>, %arg3: memref<16384xf32, #tpu.memory_space<vmem>>) attributes {dimension_semantics = [#tpu.dimension_semantics<core_parallel>, #tpu.dimension_semantics<subcore_parallel>], iteration_bounds = array<i64: 2, 16>, scalar_prefetch = 0 : i64, scratch_operands = 1 : i64, tpu.core_type = #tpu.core_type<sc_vector_subcore>, window_params = [{transform_indices = #map}]} {
    %mul3A = arith.constant 2 : i32
    %mul3A_0 = arith.muli %arg1, %mul3A : i32
    %add3A = arith.addi %mul3A_0, %arg0 : i32
    %mul3A_1 = arith.constant 524288 : i32
    %mul3A_2 = arith.muli %add3A, %mul3A_1 : i32
    %scan3A = arith.constant 0 : i32
    %scan3A_3 = arith.constant 0 : i32
    %scan3A_4 = arith.constant 1024 : i32
    %scan3A_5 = arith.addi %scan3A_3, %scan3A_4 : i32
    %scan3A_6 = arith.constant 1 : i32
    scf.for %scan3A_14 = %scan3A_3 to %scan3A_5 step %scan3A_6  : i32 {
      %broadcast_in_dim3A = arith.constant 0.000000e+00 : f32
      %broadcast_in_dim3A_15 = vector.broadcast %broadcast_in_dim3A : f32 to vector<16xf32>
      %mul3A_16 = arith.constant 16 : i32
      %mul3A_17 = arith.muli %scan3A_14, %mul3A_16 : i32
      %swap3A = arith.index_cast %mul3A_17 : i32 to index
      %swap3A_18 = tpu.vector_load %arg3[%swap3A] {strides = array<i32>} : memref<16384xf32, #tpu.memory_space<vmem>>, vector<16xf32>,
      %swap3A_19 = vector.shape_cast %swap3A_18 : vector<16xf32> to vector<16xf32>
      %swap3A_20 = vector.shape_cast %broadcast_in_dim3A_15 : vector<16xf32> to vector<16xf32>
      tpu.vector_store %arg3[%swap3A], %swap3A_20 {strides = array<i32>} : memref<16384xf32, #tpu.memory_space<vmem>>, vector<16xf32>,
    }
    %scan3A_7 = arith.constant 1024 : i32
    %scan3A_8 = arith.constant 0 : i32
    %scan3A_9 = arith.constant 0 : i32
    %scan3A_10 = arith.constant 32 : i32
    %scan3A_11 = arith.addi %scan3A_9, %scan3A_10 : i32
    %scan3A_12 = arith.constant 1 : i32
    scf.for %scan3A_14 = %scan3A_9 to %scan3A_11 step %scan3A_12  : i32 {
      %mul3A_15 = arith.constant 16384 : i32
      %mul3A_16 = arith.muli %scan3A_14, %mul3A_15 : i32
      %add3A_17 = arith.addi %mul3A_2, %mul3A_16 : i32
      "tpu.region"() ({
        %run_scoped3A = tpu.sem_alloc : memref<!tpu.dma_semaphore, #tpu.memory_space<semaphore_mem>>
        %dma_start3A = tpu.memref_slice %arg2[%add3A_17] : memref<16777216xf32, #tpu.memory_space<hbm>> -> memref<16384xf32, #tpu.memory_space<hbm>>
        %dma_start3A_18 = tpu.memref_slice %arg2[%add3A_17] : memref<16777216xf32, #tpu.memory_space<hbm>> -> memref<16384xf32, #tpu.memory_space<hbm>>
        tpu.enqueue_dma source(%arg3 : memref<16384xf32, #tpu.memory_space<vmem>>) target(%dma_start3A_18 : memref<16384xf32, #tpu.memory_space<hbm>>) target_semaphore(%run_scoped3A : memref<!tpu.dma_semaphore, #tpu.memory_space<semaphore_mem>>)
        %dma_wait3A = tpu.memref_slice %arg2[%add3A_17] : memref<16777216xf32, #tpu.memory_space<hbm>> -> memref<16384xf32, #tpu.memory_space<hbm>>
        %dma_wait3A_19 = tpu.memref_slice %arg2[%add3A_17] : memref<16777216xf32, #tpu.memory_space<hbm>> -> memref<16384xf32, #tpu.memory_space<hbm>>
        tpu.wait_dma2 semaphore(%run_scoped3A : memref<!tpu.dma_semaphore, #tpu.memory_space<semaphore_mem>>) src(%arg3 : memref<16384xf32, #tpu.memory_space<vmem>>) dst(%dma_wait3A_19 : memref<16384xf32, #tpu.memory_space<hbm>>)
        tpu.yield
      }) : () -> ()
    }
    %scan3A_13 = arith.constant 32 : i32
    return
  }
}

module attributes {stable_mosaic.version = 14 : i64} {
  func.func @_vq_tc_body(%arg0: i32, %arg1: memref<1x64x1024xf32, #tpu.memory_space<vmem>>, %arg2: memref<1024x64xf32, #tpu.memory_space<vmem>>, %arg3: memref<1x1x1024xi32, #tpu.memory_space<vmem>>, %arg4: memref<1x64x1024xf32, #tpu.memory_space<vmem>>, %arg5: memref<1x1xf32, #tpu.memory_space<smem>>, %arg6: memref<1x1xf32, #tpu.memory_space<smem>>, %arg7: memref<1024xf32, #tpu.memory_space<vmem>>, %arg8: memref<1xf32, #tpu.memory_space<smem>>) attributes {dimension_semantics = [#tpu.dimension_semantics<arbitrary>], iteration_bounds = array<i64: 16>, scalar_prefetch = 0 : i64, scratch_operands = 2 : i64, tpu.core_type = #tpu.core_type<tc>, window_params = [{transform_indices = @transform_0, window_bounds = array<i64: 1, 64, 1024>}, {pipeline_mode = #tpu.pipeline_mode<synchronous>, transform_indices = @transform_1, window_bounds = array<i64: 1024, 64>}, {transform_indices = @transform_2, window_bounds = array<i64: 1, 1, 1024>}, {transform_indices = @transform_3, window_bounds = array<i64: 1, 64, 1024>}, {transform_indices = @transform_4, window_bounds = array<i64: 1, 1>}, {transform_indices = @transform_5, window_bounds = array<i64: 1, 1>}]} {
    %eq3A = arith.constant 0 : i32
    %eq3A_0 = arith.cmpi eq, %arg0, %eq3A : i32
    %convert_element_type3A = arith.extui %eq3A_0 : i1 to i32
    %cond3A = arith.constant 0 : i32
    %cond3A_1 = arith.cmpi ne, %convert_element_type3A, %cond3A : i32
    scf.if %cond3A_1 {
      %broadcast_in_dim3A_66 = arith.constant 0.000000e+00 : f32
      %broadcast_in_dim3A_67 = vector.broadcast %broadcast_in_dim3A_66 : f32 to vector<1024xf32>
      %swap3A_68 = arith.constant 0 : index
      %swap3A_69 = vector.load %arg7[%swap3A_68] : memref<1024xf32, #tpu.memory_space<vmem>>, vector<1024xf32>
      tpu.vector_store %arg7[%swap3A_68], %broadcast_in_dim3A_67 {strides = array<i32>} : memref<1024xf32, #tpu.memory_space<vmem>>, vector<1024xf32>,
      %swap3A_70 = arith.constant 0.000000e+00 : f32
      %swap3A_71 = arith.constant 0 : index
      %swap3A_72 = memref.load %arg8[%swap3A_71] : memref<1xf32, #tpu.memory_space<smem>>
      memref.store %swap3A_70, %arg8[%swap3A_71] : memref<1xf32, #tpu.memory_space<smem>>
    } else {
    }
    %get3A = arith.constant 0 : index
    %get3A_2 = arith.constant 0 : index
    %get3A_3 = arith.constant 0 : index
    %get3A_4 = vector.load %arg1[%get3A, %get3A_2, %get3A_3] : memref<1x64x1024xf32, #tpu.memory_space<vmem>>, vector<1x64x1024xf32>
    %get3A_5 = vector.shape_cast %get3A_4 : vector<1x64x1024xf32> to vector<64x1024xf32>
    %integer_pow3A = arith.mulf %get3A_5, %get3A_5 : vector<64x1024xf32>
    %reduce_sum3A = arith.constant dense<0.000000e+00> : vector<1024xf32>
    %reduce_sum3A_6 = vector.multi_reduction <add>, %integer_pow3A, %reduce_sum3A [0] : vector<64x1024xf32> to vector<1024xf32>
    %add3A = arith.addf %get3A_5, %get3A_5 : vector<64x1024xf32>
    %get3A_7 = arith.constant 0 : index
    %get3A_8 = arith.constant 0 : index
    %get3A_9 = vector.load %arg2[%get3A_7, %get3A_8] : memref<1024x64xf32, #tpu.memory_space<vmem>>, vector<1024x64xf32>
    %integer_pow3A_10 = arith.mulf %get3A_9, %get3A_9 : vector<1024x64xf32>
    %reduce_sum3A_11 = arith.constant dense<0.000000e+00> : vector<1024xf32>
    %reduce_sum3A_12 = vector.multi_reduction <add>, %integer_pow3A_10, %reduce_sum3A_11 [1] : vector<1024x64xf32> to vector<1024xf32>
    %dot_general3A = arith.constant dense<0.000000e+00> : vector<1024x1024xf32>
    %dot_general3A_13 = tpu.matmul %add3A, %get3A_9, %dot_general3A {dimension_numbers = #tpu.dot_dimension_numbers<[0], [1], [1], [0], [0, 1, 1, 0], [], []>, transpose_lhs_hint = false} : vector<64x1024xf32>, vector<1024x64xf32>, vector<1024x1024xf32> -> vector<1024x1024xf32>
    %broadcast_in_dim3A = vector.shape_cast %reduce_sum3A_6 : vector<1024xf32> to vector<1024x1xf32>
    %broadcast_in_dim3A_14 = vector.shape_cast %reduce_sum3A_12 : vector<1024xf32> to vector<1x1024xf32>
    %add3A_15 = vector.broadcast %broadcast_in_dim3A : vector<1024x1xf32> to vector<1024x1024xf32>
    %add3A_16 = vector.broadcast %broadcast_in_dim3A_14 : vector<1x1024xf32> to vector<1024x1024xf32>
    %add3A_17 = arith.addf %add3A_15, %add3A_16 : vector<1024x1024xf32>
    %sub3A = arith.subf %add3A_17, %dot_general3A_13 : vector<1024x1024xf32>
    %reduce_min3A = arith.constant dense<0x7F800000> : vector<1024xf32>
    %reduce_min3A_18 = vector.multi_reduction <minimumf>, %sub3A, %reduce_min3A [1] : vector<1024x1024xf32> to vector<1024xf32>
    %iota3A = tpu.iota {dimensions = array<i32: 1>} : vector<1024x1024xi32>
    %broadcast_in_dim3A_19 = vector.shape_cast %reduce_min3A_18 : vector<1024xf32> to vector<1024x1xf32>
    %eq3A_20 = vector.broadcast %broadcast_in_dim3A_19 : vector<1024x1xf32> to vector<1024x1024xf32>
    %eq3A_21 = arith.cmpf oeq, %sub3A, %eq3A_20 : vector<1024x1024xf32>
    %jit3A = arith.constant 1024 : i32
    %broadcast_in_dim3A_22 = vector.broadcast %jit3A : i32 to vector<1024x1024xi32>
    %select_n3A = arith.select %eq3A_21, %iota3A, %broadcast_in_dim3A_22 : vector<1024x1024xi1>, vector<1024x1024xi32>
    %reduce_min3A_23 = arith.constant dense<2147483647> : vector<1024xi32>
    %reduce_min3A_24 = vector.multi_reduction <minsi>, %select_n3A, %reduce_min3A_23 [1] : vector<1024x1024xi32> to vector<1024xi32>
    %swap3A = arith.constant 0 : index
    %swap3A_25 = arith.constant 0 : index
    %swap3A_26 = arith.constant 0 : index
    %swap3A_27 = vector.load %arg3[%swap3A, %swap3A_25, %swap3A_26] : memref<1x1x1024xi32, #tpu.memory_space<vmem>>, vector<1x1x1024xi32>
    %swap3A_28 = vector.shape_cast %swap3A_27 : vector<1x1x1024xi32> to vector<1024xi32>
    %swap3A_29 = vector.shape_cast %reduce_min3A_24 : vector<1024xi32> to vector<1x1x1024xi32>
    tpu.vector_store %arg3[%swap3A, %swap3A_25, %swap3A_26], %swap3A_29 {strides = array<i32>} : memref<1x1x1024xi32, #tpu.memory_space<vmem>>, vector<1x1x1024xi32>,
    %broadcast_in_dim3A_30 = vector.shape_cast %reduce_min3A_24 : vector<1024xi32> to vector<1024x1xi32>
    %eq3A_31 = vector.broadcast %broadcast_in_dim3A_30 : vector<1024x1xi32> to vector<1024x1024xi32>
    %eq3A_32 = arith.cmpi eq, %iota3A, %eq3A_31 : vector<1024x1024xi32>
    %convert_element_type3A_33 = arith.extui %eq3A_32 : vector<1024x1024xi1> to vector<1024x1024xi32>
    %convert_element_type3A_34 = arith.sitofp %convert_element_type3A_33 : vector<1024x1024xi32> to vector<1024x1024xf32>
    %get3A_35 = arith.constant 0 : index
    %get3A_36 = vector.load %arg7[%get3A_35] : memref<1024xf32, #tpu.memory_space<vmem>>, vector<1024xf32>
    %reduce_sum3A_37 = arith.constant dense<0.000000e+00> : vector<1024xf32>
    %reduce_sum3A_38 = vector.multi_reduction <add>, %convert_element_type3A_34, %reduce_sum3A_37 [0] : vector<1024x1024xf32> to vector<1024xf32>
    %add3A_39 = arith.addf %get3A_36, %reduce_sum3A_38 : vector<1024xf32>
    %swap3A_40 = arith.constant 0 : index
    %swap3A_41 = vector.load %arg7[%swap3A_40] : memref<1024xf32, #tpu.memory_space<vmem>>, vector<1024xf32>
    tpu.vector_store %arg7[%swap3A_40], %add3A_39 {strides = array<i32>} : memref<1024xf32, #tpu.memory_space<vmem>>, vector<1024xf32>,
    %dot_general3A_42 = arith.constant dense<0.000000e+00> : vector<64x1024xf32>
    %dot_general3A_43 = tpu.matmul %get3A_9, %convert_element_type3A_34, %dot_general3A_42 {dimension_numbers = #tpu.dot_dimension_numbers<[0], [1], [1], [0], [0, 1, 1, 0], [], []>, transpose_lhs_hint = false} : vector<1024x64xf32>, vector<1024x1024xf32>, vector<64x1024xf32> -> vector<64x1024xf32>
    %swap3A_44 = arith.constant 0 : index
    %swap3A_45 = arith.constant 0 : index
    %swap3A_46 = arith.constant 0 : index
    %swap3A_47 = vector.load %arg4[%swap3A_44, %swap3A_45, %swap3A_46] : memref<1x64x1024xf32, #tpu.memory_space<vmem>>, vector<1x64x1024xf32>
    %swap3A_48 = vector.shape_cast %swap3A_47 : vector<1x64x1024xf32> to vector<64x1024xf32>
    %swap3A_49 = vector.shape_cast %dot_general3A_43 : vector<64x1024xf32> to vector<1x64x1024xf32>
    tpu.vector_store %arg4[%swap3A_44, %swap3A_45, %swap3A_46], %swap3A_49 {strides = array<i32>} : memref<1x64x1024xf32, #tpu.memory_space<vmem>>, vector<1x64x1024xf32>,
    %sub3A_50 = arith.subf %dot_general3A_43, %get3A_5 : vector<64x1024xf32>
    %get3A_51 = arith.constant 0 : index
    %get3A_52 = memref.load %arg8[%get3A_51] : memref<1xf32, #tpu.memory_space<smem>>
    %mul3A = arith.mulf %sub3A_50, %sub3A_50 : vector<64x1024xf32>
    %reduce_sum3A_53 = vector.shape_cast %mul3A : vector<64x1024xf32> to vector<1x64x1024xf32>
    %reduce_sum3A_54 = arith.constant dense<0.000000e+00> : vector<1xf32>
    %reduce_sum3A_55 = vector.multi_reduction <add>, %reduce_sum3A_53, %reduce_sum3A_54 [1, 2] : vector<1x64x1024xf32> to vector<1xf32>
    %reduce_sum3A_56 = vector.shape_cast %reduce_sum3A_55 : vector<1xf32> to vector<1x1x1xf32>
    %reduce_sum3A_57 = vector.extract %reduce_sum3A_56[0, 0, 0] : f32 from vector<1x1x1xf32>
    %add3A_58 = arith.addf %get3A_52, %reduce_sum3A_57 : f32
    %swap3A_59 = arith.constant 0 : index
    %swap3A_60 = memref.load %arg8[%swap3A_59] : memref<1xf32, #tpu.memory_space<smem>>
    memref.store %add3A_58, %arg8[%swap3A_59] : memref<1xf32, #tpu.memory_space<smem>>
    %eq3A_61 = arith.constant 15 : i32
    %eq3A_62 = arith.cmpi eq, %arg0, %eq3A_61 : i32
    %convert_element_type3A_63 = arith.extui %eq3A_62 : i1 to i32
    %cond3A_64 = arith.constant 0 : i32
    %cond3A_65 = arith.cmpi ne, %convert_element_type3A_63, %cond3A_64 : i32
    scf.if %cond3A_65 {
      %get3A_66 = arith.constant 0 : index
      %get3A_67 = memref.load %arg8[%get3A_66] : memref<1xf32, #tpu.memory_space<smem>>
      %mul3A_68 = arith.constant 1.250000e+00 : f32
      %mul3A_69 = arith.mulf %mul3A_68, %get3A_67 : f32
      %div3A = arith.constant 0x49800000 : f32
      %div3A_70 = arith.divf %mul3A_69, %div3A : f32
      %swap3A_71 = arith.constant 0 : index
      %swap3A_72 = arith.constant 0 : index
      %swap3A_73 = memref.load %arg5[%swap3A_71, %swap3A_72] : memref<1x1xf32, #tpu.memory_space<smem>>
      memref.store %div3A_70, %arg5[%swap3A_71, %swap3A_72] : memref<1x1xf32, #tpu.memory_space<smem>>
      %get3A_74 = arith.constant 0 : index
      %get3A_75 = vector.load %arg7[%get3A_74] : memref<1024xf32, #tpu.memory_space<vmem>>, vector<1024xf32>
      %mul3A_76 = arith.constant 6.10351563E-5 : f32
      %mul3A_77 = vector.broadcast %mul3A_76 : f32 to vector<1024xf32>
      %mul3A_78 = arith.mulf %get3A_75, %mul3A_77 : vector<1024xf32>
      %add3A_79 = arith.constant 1.000000e-10 : f32
      %add3A_80 = vector.broadcast %add3A_79 : f32 to vector<1024xf32>
      %add3A_81 = arith.addf %mul3A_78, %add3A_80 : vector<1024xf32>
      %log3A = math.log %add3A_81 : vector<1024xf32>
      %mul3A_82 = arith.mulf %mul3A_78, %log3A : vector<1024xf32>
      %reduce_sum3A_83 = vector.shape_cast %mul3A_82 : vector<1024xf32> to vector<1x1024xf32>
      %reduce_sum3A_84 = arith.constant dense<0.000000e+00> : vector<1xf32>
      %reduce_sum3A_85 = vector.multi_reduction <add>, %reduce_sum3A_83, %reduce_sum3A_84 [1] : vector<1x1024xf32> to vector<1xf32>
      %reduce_sum3A_86 = vector.shape_cast %reduce_sum3A_85 : vector<1xf32> to vector<1x1xf32>
      %reduce_sum3A_87 = vector.extract %reduce_sum3A_86[0, 0] : f32 from vector<1x1xf32>
      %neg3A = arith.constant 0.000000e+00 : f32
      %neg3A_88 = arith.subf %neg3A, %reduce_sum3A_87 : f32
      %exp3A = math.exp %neg3A_88 : f32
      %swap3A_89 = arith.constant 0 : index
      %swap3A_90 = arith.constant 0 : index
      %swap3A_91 = memref.load %arg6[%swap3A_89, %swap3A_90] : memref<1x1xf32, #tpu.memory_space<smem>>
      memref.store %exp3A, %arg6[%swap3A_89, %swap3A_90] : memref<1x1xf32, #tpu.memory_space<smem>>
    } else {
    }
    return
  }
  func.func @transform_0(%arg0: i32) -> (i32, i32, i32) {
    %jit3A = arith.constant 1 : i32
    %div3A = arith.divsi %arg0, %jit3A : i32
    %sign3A = arith.constant 0 : i32
    %sign3A_0 = arith.cmpi sgt, %arg0, %sign3A : i32
    %sign3A_1 = arith.extui %sign3A_0 : i1 to i32
    %sign3A_2 = arith.constant 0 : i32
    %sign3A_3 = arith.cmpi slt, %arg0, %sign3A_2 : i32
    %sign3A_4 = arith.extui %sign3A_3 : i1 to i32
    %sign3A_5 = arith.subi %sign3A_1, %sign3A_4 : i32
    %sign3A_6 = arith.constant 0 : i32
    %sign3A_7 = arith.cmpi sgt, %jit3A, %sign3A_6 : i32
    %sign3A_8 = arith.extui %sign3A_7 : i1 to i32
    %sign3A_9 = arith.constant 0 : i32
    %sign3A_10 = arith.cmpi slt, %jit3A, %sign3A_9 : i32
    %sign3A_11 = arith.extui %sign3A_10 : i1 to i32
    %sign3A_12 = arith.subi %sign3A_8, %sign3A_11 : i32
    %ne3A = arith.cmpi ne, %sign3A_5, %sign3A_12 : i32
    %rem3A = arith.remsi %arg0, %jit3A : i32
    %ne3A_13 = arith.constant 0 : i32
    %ne3A_14 = arith.cmpi ne, %rem3A, %ne3A_13 : i32
    %and3A = arith.andi %ne3A, %ne3A_14 : i1
    %sub3A = arith.constant 1 : i32
    %sub3A_15 = arith.subi %div3A, %sub3A : i32
    %select_n3A = arith.select %and3A, %sub3A_15, %div3A : i32
    %jit3A_16 = arith.constant 1 : i32
    %eq3A = arith.constant 0 : i32
    %eq3A_17 = arith.cmpi eq, %jit3A_16, %eq3A : i32
    %jit3A_18 = arith.constant 1 : i32
    %select_n3A_19 = arith.select %eq3A_17, %jit3A_18, %jit3A_16 : i32
    %rem3A_20 = arith.remsi %arg0, %select_n3A_19 : i32
    %ne3A_21 = arith.constant 0 : i32
    %ne3A_22 = arith.cmpi ne, %rem3A_20, %ne3A_21 : i32
    %lt3A = arith.constant 0 : i32
    %lt3A_23 = arith.cmpi slt, %rem3A_20, %lt3A : i32
    %lt3A_24 = arith.constant 0 : i32
    %lt3A_25 = arith.cmpi slt, %select_n3A_19, %lt3A_24 : i32
    %ne3A_26 = arith.xori %lt3A_23, %lt3A_25 : i1
    %and3A_27 = arith.andi %ne3A_26, %ne3A_22 : i1
    %add3A = arith.addi %rem3A_20, %select_n3A_19 : i32
    %select_n3A_28 = arith.select %and3A_27, %add3A, %rem3A_20 : i32
    %c0_i32 = arith.constant 0 : i32
    %c0_i32_29 = arith.constant 0 : i32
    return %select_n3A, %c0_i32, %select_n3A_28 : i32, i32, i32
  }
  func.func @transform_1(%arg0: i32) -> (i32, i32) {
    %c0_i32 = arith.constant 0 : i32
    %c0_i32_0 = arith.constant 0 : i32
    %c0_i32_1 = arith.constant 0 : i32
    return %c0_i32, %c0_i32_0 : i32, i32
  }
  func.func @transform_2(%arg0: i32) -> (i32, i32, i32) {
    %c0_i32 = arith.constant 0 : i32
    %c0_i32_0 = arith.constant 0 : i32
    %c0_i32_1 = arith.constant 0 : i32
    return %arg0, %c0_i32, %c0_i32_0 : i32, i32, i32
  }
  func.func @transform_3(%arg0: i32) -> (i32, i32, i32) {
    %jit3A = arith.constant 1 : i32
    %div3A = arith.divsi %arg0, %jit3A : i32
    %sign3A = arith.constant 0 : i32
    %sign3A_0 = arith.cmpi sgt, %arg0, %sign3A : i32
    %sign3A_1 = arith.extui %sign3A_0 : i1 to i32
    %sign3A_2 = arith.constant 0 : i32
    %sign3A_3 = arith.cmpi slt, %arg0, %sign3A_2 : i32
    %sign3A_4 = arith.extui %sign3A_3 : i1 to i32
    %sign3A_5 = arith.subi %sign3A_1, %sign3A_4 : i32
    %sign3A_6 = arith.constant 0 : i32
    %sign3A_7 = arith.cmpi sgt, %jit3A, %sign3A_6 : i32
    %sign3A_8 = arith.extui %sign3A_7 : i1 to i32
    %sign3A_9 = arith.constant 0 : i32
    %sign3A_10 = arith.cmpi slt, %jit3A, %sign3A_9 : i32
    %sign3A_11 = arith.extui %sign3A_10 : i1 to i32
    %sign3A_12 = arith.subi %sign3A_8, %sign3A_11 : i32
    %ne3A = arith.cmpi ne, %sign3A_5, %sign3A_12 : i32
    %rem3A = arith.remsi %arg0, %jit3A : i32
    %ne3A_13 = arith.constant 0 : i32
    %ne3A_14 = arith.cmpi ne, %rem3A, %ne3A_13 : i32
    %and3A = arith.andi %ne3A, %ne3A_14 : i1
    %sub3A = arith.constant 1 : i32
    %sub3A_15 = arith.subi %div3A, %sub3A : i32
    %select_n3A = arith.select %and3A, %sub3A_15, %div3A : i32
    %jit3A_16 = arith.constant 1 : i32
    %eq3A = arith.constant 0 : i32
    %eq3A_17 = arith.cmpi eq, %jit3A_16, %eq3A : i32
    %jit3A_18 = arith.constant 1 : i32
    %select_n3A_19 = arith.select %eq3A_17, %jit3A_18, %jit3A_16 : i32
    %rem3A_20 = arith.remsi %arg0, %select_n3A_19 : i32
    %ne3A_21 = arith.constant 0 : i32
    %ne3A_22 = arith.cmpi ne, %rem3A_20, %ne3A_21 : i32
    %lt3A = arith.constant 0 : i32
    %lt3A_23 = arith.cmpi slt, %rem3A_20, %lt3A : i32
    %lt3A_24 = arith.constant 0 : i32
    %lt3A_25 = arith.cmpi slt, %select_n3A_19, %lt3A_24 : i32
    %ne3A_26 = arith.xori %lt3A_23, %lt3A_25 : i1
    %and3A_27 = arith.andi %ne3A_26, %ne3A_22 : i1
    %add3A = arith.addi %rem3A_20, %select_n3A_19 : i32
    %select_n3A_28 = arith.select %and3A_27, %add3A, %rem3A_20 : i32
    %c0_i32 = arith.constant 0 : i32
    %c0_i32_29 = arith.constant 0 : i32
    return %select_n3A, %c0_i32, %select_n3A_28 : i32, i32, i32
  }
  func.func @transform_4(%arg0: i32) -> (i32, i32) {
    %c0_i32 = arith.constant 0 : i32
    %c0_i32_0 = arith.constant 0 : i32
    %c0_i32_1 = arith.constant 0 : i32
    return %c0_i32, %c0_i32_0 : i32, i32
  }
  func.func @transform_5(%arg0: i32) -> (i32, i32) {
    %c0_i32 = arith.constant 0 : i32
    %c0_i32_0 = arith.constant 0 : i32
    %c0_i32_1 = arith.constant 0 : i32
    return %c0_i32, %c0_i32_0 : i32, i32
  }
}

</mosaic_0001>

<sc_bundles>
// kernel: kernel.5.cloned.1.call-start
scs
__scs_entry_jumppad:
0x0: {  	(pc) =	sbr.rel $0x88, $3  }
0x1: {  	(tag) =	ssettag $0x0;
	lr =	simm.s32 $0x1  }
0x2: {  	[smem:$0x3F9F] =	sst lr;
	_ =	strace $0xD0000000  }
0x3: {  	_ = 	snop  }
0x4: {  	_ = 	snop  }
0x5: {  	_ = 	snop  }
0x6: {  	_ = 	snop  }
0x7: {  	_ = 	snop  }
__scs_overlays_trampoline_lowered:
0x8: {  	[smem:$0x3FAE] =	sst s0  }
0x9: {  	[smem:$0x3FAF] =	sst s1  }
0xa: {  	[smem:$0x3FB0] =	sst s2  }
0xb: {  	[smem:$0x3FB1] =	sst s3  }
0xc: {  	[smem:$0x3FB2] =	sst s4  }
0xd: {  	[smem:$0x3FB3] =	sst s5  }
0xe: {  	[smem:$0x3FB4] =	sst s6  }
0xf: {  	[smem:$0x3FB5] =	sst s7  }
0x10: {  	[smem:$0x3FB6] =	sst s8  }
0x11: {  	[smem:$0x3FB7] =	sst s9;
	s0 =	simm.s32 @!p0 $0x0  }
0x12: {  	s1 =	sld [smem:$0x3F9D];
	s0 =	simm.s32 @p0 $0x1  }
0x13: {  	[smem:$0x3FB8] =	sst s0;
	s0 =	simm.s32 @!p1 $0x0  }
0x14: {  	s2 =	sld [smem:$0x3F9C];
	s0 =	simm.s32 @p1 $0x1  }
0x15: {  	[smem:$0x3FB9] =	sst s0;
	s0 =	simm.s32 @!p2 $0x0  }
0x16: {  	s3 =	sld [smem:$0x3FDB];
	s0 =	simm.s32 @p2 $0x1  }
0x17: {  	s4 =	simm.s32 $0x1BF5;
	[smem:$0x3FBB] =	sst s0  }
0x18: {  	s0 =	sld [smem:$0x3F9E];
	_ =	swait.ge [sflag:s4], $0x0  }
0x19: {  	s7 =	sld [smem:$0x3F9F]  }
0x1a: {  	s8 =	sadd.s32 $0xFFFFE003, lr  }
0x1b: {  	s9 =	sadd.s32 $0xFFFFFEF7, lr;
	s5 =	simm.s32 $0xFFFFFFFF;
	p2 =	slt.u32 s8, $0xFFFFF086  }
0x1c: {  	p1 =	slt.u32 s9, $0xF7A;
	s5 =	simm.s32 @!p2 $0x0  }
0x1d: {  	s5 =	simm.s32 @p1 $0x1;
	p0 =	seq.s32 s7, s2  }
0x1e: {  	s7 =	smul.u32 @!p0 $0xF7A, s2;
	p2 =	seq.s32 @!p0 s5, $0x0  }
0x1f: {  	s9 =	smul.u32 $0xF7A, s1;
	s8 =	simm.s32 @!p0 $0x1BF5;
	p2 =	por !p2, p0  }
0x20: {  	[sflag:s8] =	ssyncset.s32 @!p0 $0xFFFFF086;
	s6 =	sadd.s32 @!p0 s3, s7;
	s7 =	simm.s32 @!p0 $0x108  }
0x21: {  	s3 =	sadd.s32 s3, s9;
	s6 =	sadd.s32 @!p0 $0x88, s6;
	s7 =	simm.s32 @p2 $0x1082  }
0x22: {  	[simem:s7], [sflag:s8] =	dma.local @!p0 [hbm:s6], $0xF7A  }
0x23: {  	s9 =	sor.u32 $0xD0000000, s2;
	s6 =	simm.s32 $0x108;
	_ =	swait.ge @!p0 [sflag:s8], $0x0  }
0x24: {  	s3 =	sadd.s32 $0x88, s3;
	s6 =	simm.s32 @!p1 $0x1082;
	[sflag:s4] =	ssyncset.s32 $0xFFFFF086  }
0x25: {  	[simem:s6], [sflag:s4] =	dma.local [hbm:s3], $0xF7A  }
0x26: {  	[smem:$0x3F9F] =	sst s1;
	(tag) =	ssettag s2;
	_ =	strace s9  }
0x27: {  	s1 =	sld [smem:$0x3FAF]  }
0x28: {  	s2 =	sld [smem:$0x3FB0]  }
0x29: {  	s4 =	sld [smem:$0x3FB2]  }
0x2a: {  	p0 =	seq.s32 s5, $0x0;
	s5 =	sld [smem:$0x3FB3]  }
0x2b: {  	s6 =	sld [smem:$0x3FB4]  }
0x2c: {  	s7 =	sld [smem:$0x3FB5]  }
0x2d: {  	s3 =	simm.s32 $0x108;
	s8 =	sld [smem:$0x3FB6]  }
0x2e: {  	s3 =	simm.s32 @!p0 $0x1082;
	s9 =	sld [smem:$0x3FB7]  }
0x2f: {  	lr =	sadd.s32 s0, s3;
	s0 =	sld [smem:$0x3FAE]  }
0x30: {  	s3 =	sld [smem:$0x3FB1]  }
0x31: {  	[smem:$0x3FBA] =	sst s10  }
0x32: {  	s10 =	sld [smem:$0x3FB8];
	_ =	sdelay $0x3  }
0x33: {  	p0 =	seq.s32 s10, $0x1;
	s10 =	sld [smem:$0x3FBA];
	_ =	sdelay $0x3  }
0x34: {  	[smem:$0x3FBA] =	sst s10  }
0x35: {  	s10 =	sld [smem:$0x3FB9];
	_ =	sdelay $0x3  }
0x36: {  	p1 =	seq.s32 s10, $0x1;
	s10 =	sld [smem:$0x3FBA];
	_ =	sdelay $0x3  }
0x37: {  	[smem:$0x3FBA] =	sst s10  }
0x38: {  	s10 =	sld [smem:$0x3FBB]  }
0x39: {  	_ = 	snop;
	(pc) =	sbr.ind lr, $3  }
0x3a: {  	_ = 	snop  }
0x3b: {  	_ = 	snop  }
0x3c: {  	p2 =	seq.s32 s10, $0x1;
	s10 =	sld [smem:$0x3FBA]  }
0x3d: {  	_ =	shalt  }
0x3e: {  	_ =	shalt  }
0x3f: {  	_ =	shalt  }
0x40: {  	_ =	shalt  }
0x41: {  	_ =	shalt  }
0x42: {  	_ =	shalt  }
0x43: {  	_ =	shalt  }
0x44: {  	_ =	shalt  }
0x45: {  	_ =	shalt  }
0x46: {  	_ =	shalt  }
0x47: {  	_ =	shalt  }
0x48: {  	_ =	shalt  }
0x49: {  	_ =	shalt  }
0x4a: {  	_ =	shalt  }
0x4b: {  	_ =	shalt  }
0x4c: {  	_ =	shalt  }
0x4d: {  	_ =	shalt  }
0x4e: {  	_ =	shalt  }
0x4f: {  	_ =	shalt  }
0x50: {  	_ =	shalt  }
0x51: {  	_ =	shalt  }
0x52: {  	_ =	shalt  }
0x53: {  	_ =	shalt  }
0x54: {  	_ =	shalt  }
0x55: {  	_ =	shalt  }
0x56: {  	_ =	shalt  }
0x57: {  	_ =	shalt  }
0x58: {  	_ =	shalt  }
0x59: {  	_ =	shalt  }
0x5a: {  	_ =	shalt  }
0x5b: {  	_ =	shalt  }
0x5c: {  	_ =	shalt  }
0x5d: {  	_ =	shalt  }
0x5e: {  	_ =	shalt  }
0x5f: {  	_ =	shalt  }
0x60: {  	_ =	shalt  }
0x61: {  	_ =	shalt  }
0x62: {  	_ =	shalt  }
0x63: {  	_ =	shalt  }
0x64: {  	_ =	shalt  }
0x65: {  	_ =	shalt  }
0x66: {  	_ =	shalt  }
0x67: {  	_ =	shalt  }
0x68: {  	_ =	shalt  }
0x69: {  	_ =	shalt  }
0x6a: {  	_ =	shalt  }
0x6b: {  	_ =	shalt  }
0x6c: {  	_ =	shalt  }
0x6d: {  	_ =	shalt  }
0x6e: {  	_ =	shalt  }
0x6f: {  	_ =	shalt  }
0x70: {  	_ =	shalt  }
0x71: {  	_ =	shalt  }
0x72: {  	_ =	shalt  }
0x73: {  	_ =	shalt  }
0x74: {  	_ =	shalt  }
0x75: {  	_ =	shalt  }
0x76: {  	_ =	shalt  }
0x77: {  	_ =	shalt  }
0x78: {  	_ =	shalt  }
0x79: {  	_ =	shalt  }
0x7a: {  	_ =	shalt  }
0x7b: {  	_ =	shalt  }
0x7c: {  	_ =	shalt  }
0x7d: {  	_ =	shalt  }
0x7e: {  	_ =	shalt  }
0x7f: {  	_ =	shalt  }
0x80: {  	_ =	shalt  }
0x81: {  	_ =	shalt  }
0x82: {  	_ =	shalt  }
0x83: {  	_ =	shalt  }
0x84: {  	_ =	shalt  }
0x85: {  	_ =	shalt  }
0x86: {  	_ =	shalt  }
0x87: {  	_ =	shalt  }
.Lfunc_end0:
.L_simem_size_0:
called_computation_lowered:
.L_overlay_start_0:
0x88: {  	s2 =	sld [smem:$0x3FD9]  }
0x89: {  	s3 =	sld [smem:$0x3FFE];
	_ =	sdelay $0x1  }
0x8a: {  	s1 =	srdreg.scid  }
0x8b: {  	s0 =	sand.u32 $0x1, s1  }
0x8c: {  	s16 =	sshll.u32 s0, $0xA;
	s2 =	sadd.s32 s3, s2  }
0x8d: {  	s2 =	sadd.s32 s2, s16  }
0x8e: {  	[smem:$0x3FC6] =	sst s2  }
0x8f: {  	_ = 	snop  }
0x90: {  	(tm) =	ssettm $0x1  }
0x91: {  	s17 =	sld [smem:$0x3FFB];
	_ =	sdelay $0x3  }
0x92: {  	_ =	strace s17  }
0x93: {  	s2 =	sld [smem:$0x3FFC];
	_ =	sdelay $0x3  }
0x94: {  	_ =	strace s2  }
0x95: {  	s2 =	sld [smem:$0x3FFD];
	_ =	sdelay $0x3  }
0x96: {  	_ =	strace s2  }
0x97: {  	_ =	strace $0x8FFFFFFF  }
0x98: {  	s18 =	sld [smem:$0x3FDB];
	_ =	sdelay $0x1  }
0x99: {  	s19 =	simm.s32 $_scs_section_size  }
0x9a: {  	s4 =	simm.s32 $_size__tile_overlayer_lowered;
	s5 =	simm.s32 $_tile_overlayer_lowered  }
0x9b: {  	s22 =	simm.s32 $0x1BFF;
	s21 =	sshll.u32 s5, $0x1;
	s2 =	sadd.s32 s19, s18  }
0x9c: {  	s6 =	simm.s32 $0x0;
	s20 =	sshll.u32 s4, $0x1;
	s4 =	sadd.s32 s21, s2  }
0x9d: {  	[timem:s6], [sflag:s22] =	dma.local [hbm:s4], s20  }
0x9e: {  	_ =	swait.ge [sflag:s22], s20  }
0x9f: {  	s3 =	ssub.s32 $0x0, s20;
	[sflag:s22] =	ssyncset.done $0x0  }
0xa0: {  	[sflag:s22] =	ssyncadd.s32 s3;
	_ =	sdelay $0x1  }
0xa1: {  	s23 =	simm.s32 $0x1B8B  }
0xa2: {  	_ =	swait.ge [sflag:s23], $0x1  }
0xa3: {  	[sflag:s23] =	ssyncset.done $0x0  }
0xa4: {  	s25 =	simm.s32 $0x1B8E;
	s24 =	sld [smem:$0x3FFE];
	[sflag:s23] =	ssyncadd.s32 $0xFFFFFFFF  }
0xa5: {  	s26 =	simm.s32 $execute0_lowered;
	[smem:$0x3FD2] =	sst s25  }
0xa6: {  	s4 =	sshll.u32 s26, $0x1;
	_ =	strace $0x80000046;
	[dreg:$0x1] =	wrdreg $0xFFFFFFFF  }
0xa7: {  	s28 =	simm.s32 $_size_execute0_lowered;
	s2 =	sadd.s32 s2, s4;
	[dreg:$0x0] =	wrdreg $0x0  }
0xa8: {  	s4 =	sshll.u32 s28, $0x1;
	[dreg:$0x2] =	wrdreg s2  }
0xa9: {  	[dreg:$0x3] =	wrdreg s4  }
0xaa: {  	[dreg:$0x4] =	wrdreg $0xC0  }
0xab: {  	_ =	task [dreg:s6], $0x5FFFF  }
0xac: {  	[dreg:$0x1] =	wrdreg $0xFFFFFFFF  }
0xad: {  	[dreg:$0x0] =	wrdreg $0x60  }
0xae: {  	[dreg:$0x2] =	wrdreg s24  }
0xaf: {  	[dreg:$0x3] =	wrdreg $0x9  }
0xb0: {  	_ =	task.clear_ibuf [dreg:s6], $0x4FFFF;
	_ =	strace $0x90000046  }
0xb1: {  	s29 =	simm.s32 $0x9;
	_ =	strace $0x80000048  }
0xb2: {  	_ =	swait.ge [sflag:s29], $0x1  }
0xb3: {  	[sflag:s29] =	ssyncadd.s32 $0xFFFFFFFF  }
0xb4: {  	_ =	strace $0x90000048  }
0xb5: {  	_ =	sfence  }
0xb6: {  	s30 =	sld [smem:$0x0];
	_ =	sdelay $0x2  }
0xb7: {  	s31 =	sshll.u32 s1, $0xD;
	s1 =	sshrl.u32 s1, $0x2  }
0xb8: {  	s3 =	sand.u32 $0x4000, s31;
	s1 =	sadd.s32 s1, s30  }
0xb9: {  	s0 =	sor.u32 s3, s0;
	s1 =	sshll.u32 s1, $0x11  }
0xba: {  	s0 =	sor.u32 s1, s0  }
0xbb: {  	s0 =	sadd.s32 $0x8F2B, s0  }
0xbc: {  	[sflag:s0] =	ssyncadd.remote.s32 $0x1  }
0xbd: {  	_ =	sfence.sel $0xFFFF  }
0xbe: {  	[dreg:$0x0] =	wrdreg $0xFFFFFFFF;
	(pc) =	sbr.abs _section_cstart, $3  }
0xbf: {  	[dreg:$0x1] =	wrdreg $0xFFFFFFFF  }
0xc0: {  	_ =	task.clear_ibuf [dreg:s6], $0x2FFFF;
	_ =	strace $0x9FFFFFFF  }
0xc1: {  	(tm) =	ssettm $0x7FFFFFFF  }
tec
execute0_lowered:
.L_overlay_start_1:
0x0: {  	(tag) =	ssettag $0x1  }
0x1: {  	s0 =	srdreg.scid  }
0x2: {  	s3 =	rddreg [dreg:$0x0];
	s1 =	stileid.u32;
	s2 =	simm.s32 $0x0  }
0x3: {  	s4 =	sand.u32 $0x1, s0;
	s0 =	rddreg [dreg:$0x1];
	s5 =	sshll.u32 s1, $0x11  }
0x4: {  	[smem:$0x7FF] =	sst s2;
	s6 =	ssub.s32 $0x2, s4;
	s5 =	sadd.s32 s5, s3  }
0x5: {  	s4 =	sshll.u32 s4, $0x10;
	_ =	strace $0x80000047;
	s31 =	sshrl.u32 s6, $0x1  }
0x6: {  	s4 =	sadd.s32 s4, s5;
	s5 =	simm.s32 $0x1;
	s3 =	ssub.s32 s6, s31  }
0x7: {  	v0 =	vimm.f32 $0.0e+00;
	s4 =	sadd.s32 $0x1000, s4;
	s6 =	simm.s32 $0x0;
	s3 =	smax.u32 s3, $0x1  }
.LBB2_1:
0x8: {  	s7 =	simm.s32 $0x0  }
.LBB2_2:
0x9: {  	p0 =	sne.s32 s7, $0xFFC0  }
.Ltmp0:
0xa: {  	_ = 	snop;
	(pc) =	sbr.rel @p0 .LBB2_2-.Ltmp0, $3  }
0xb: {  	_ =	sdelay $0x1  }
0xc: {  	s8 =	sshra.s32 s7, $0x2  }
0xd: {  	s7 =	sadd.s32 $0x40, s7;
	[tilespmem:s8+$0x0] =	vst v0  }
0xe: {  	s7 =	sadd.s32 $0x0, s4  }
0xf: {  	[hbm4b:s7+s2] =	stream.linear.scatter [tilespmem:s2], [sflag:$0x1], $0x4000, $0x38;
	[tilespmem:$0x4000] =	vst v63  }
0x10: {  	_ =	swait.ge [sflag:s5], $0x4000  }
0x11: {  	s7 =	simm.s32 $0x800;
	[sflag:s5] =	ssyncset.done $0x0  }
.LBB2_4:
0x12: {  	s8 =	sadd.s32 s7, s4;
	[sflag:s5] =	ssyncadd.s32 $0xFFFFC000;
	p0 =	sne.s32 s7, $0xF800  }
0x13: {  	[hbm4b:s8+s2] =	stream.linear.scatter [tilespmem:s2], [sflag:$0x1], $0x4000, $0x38;
	[tilespmem:$0x4000] =	vst v63  }
.Ltmp1:
0x14: {  	_ = 	snop;
	(pc) =	sbr.rel @p0 .LBB2_4-.Ltmp1, $4  }
0x15: {  	_ = 	snop  }
0x16: {  	s7 =	sadd.s32 $0x800, s7  }
0x17: {  	_ =	swait.ge [sflag:s5], $0x4000  }
0x18: {  	[sflag:s5] =	ssyncset.done $0x0  }
0x19: {  	s6 =	sadd.s32 $0x1, s6  }
0x1a: {  	p0 =	sne.s32 s6, s3  }
.Ltmp2:
0x1b: {  	_ = 	snop;
	(pc) =	sbr.rel @p0 .LBB2_1-.Ltmp2, $2  }
0x1c: {  	_ =	sdelay $0x2  }
0x1d: {  	[sflag:s5] =	ssyncadd.s32 $0xFFFFC000  }
0x1e: {  	_ =	sfence.sel $0x180000  }
0x1f: {  	[bflag:$0x0] =	sbarrier.arrive $0xFFFF  }
0x20: {  	p0 =	sne.s32 s1, $0x0;
	_ =	strace $0x90000047  }
0x21: {  	s0 =	sadd.s32 @!p0 $0x100000, s0;
	[bflag:$0x2] =	sbarrier.arrive $0xFFFF  }
0x22: {  	[sflag:s0] =	ssyncadd.tile.s32 @!p0 $0x1;
	_ =	shalt  }
.Lfunc_end2:
_tile_overlayer_lowered:
.L_overlay_start_2:
0x23: {  	(tag) =	ssettag $0x2  }
0x24: {  	s0 =	rddreg [dreg:$0x0];
	s2 =	stileid.u32  }
0x25: {  	s1 =	rddreg [dreg:$0x1];
	p0 =	sne.s32 s2, $0x0  }
0x26: {  	s3 =	rddreg [dreg:$0x2];
	[bflag:$0x3] =	sbarrier.arrive $0xFFFF;
	s2 =	simm.s32 @!p0 $0x1C01  }
0x27: {  	[timem:s3], [sflag:s2] =	dma.local @!p0 [hbm:s0], s1  }
0x28: {  	s0 =	simm.s32 @!p0 $0x1  }
0x29: {  	_ =	swait.ge @!p0 [sflag:s0], s1  }
0x2a: {  	s1 =	ssub.s32 @!p0 $0x0, s1;
	[sflag:s0] =	ssyncset.done @!p0 $0x0  }
0x2b: {  	[sflag:s0] =	ssyncadd.s32 @!p0 s1  }
0x2c: {  	[bflag:$0x3] =	sbarrier.arrive $0xFFFF  }
0x2d: {  	_ =	shalt  }

// kernel: kernel.8.cloned.1.call-start
scs
__scs_entry_jumppad:
0x0: {  	(pc) =	sbr.rel $0x88, $3  }
0x1: {  	(tag) =	ssettag $0x0;
	lr =	simm.s32 $0x1  }
0x2: {  	[smem:$0x3F9F] =	sst lr;
	_ =	strace $0xD0000000  }
0x3: {  	_ = 	snop  }
0x4: {  	_ = 	snop  }
0x5: {  	_ = 	snop  }
0x6: {  	_ = 	snop  }
0x7: {  	_ = 	snop  }
__scs_overlays_trampoline_lowered:
0x8: {  	[smem:$0x3FAE] =	sst s0  }
0x9: {  	[smem:$0x3FAF] =	sst s1  }
0xa: {  	[smem:$0x3FB0] =	sst s2  }
0xb: {  	[smem:$0x3FB1] =	sst s3  }
0xc: {  	[smem:$0x3FB2] =	sst s4  }
0xd: {  	[smem:$0x3FB3] =	sst s5  }
0xe: {  	[smem:$0x3FB4] =	sst s6  }
0xf: {  	[smem:$0x3FB5] =	sst s7  }
0x10: {  	[smem:$0x3FB6] =	sst s8  }
0x11: {  	[smem:$0x3FB7] =	sst s9;
	s0 =	simm.s32 @!p0 $0x0  }
0x12: {  	s1 =	sld [smem:$0x3F9D];
	s0 =	simm.s32 @p0 $0x1  }
0x13: {  	[smem:$0x3FB8] =	sst s0;
	s0 =	simm.s32 @!p1 $0x0  }
0x14: {  	s2 =	sld [smem:$0x3F9C];
	s0 =	simm.s32 @p1 $0x1  }
0x15: {  	[smem:$0x3FB9] =	sst s0;
	s0 =	simm.s32 @!p2 $0x0  }
0x16: {  	s3 =	sld [smem:$0x3FDB];
	s0 =	simm.s32 @p2 $0x1  }
0x17: {  	s4 =	simm.s32 $0x1BF5;
	[smem:$0x3FBB] =	sst s0  }
0x18: {  	s0 =	sld [smem:$0x3F9E];
	_ =	swait.ge [sflag:s4], $0x0  }
0x19: {  	s7 =	sld [smem:$0x3F9F]  }
0x1a: {  	s8 =	sadd.s32 $0xFFFFE003, lr  }
0x1b: {  	s9 =	sadd.s32 $0xFFFFFEF7, lr;
	s5 =	simm.s32 $0xFFFFFFFF;
	p2 =	slt.u32 s8, $0xFFFFF086  }
0x1c: {  	p1 =	slt.u32 s9, $0xF7A;
	s5 =	simm.s32 @!p2 $0x0  }
0x1d: {  	s5 =	simm.s32 @p1 $0x1;
	p0 =	seq.s32 s7, s2  }
0x1e: {  	s7 =	smul.u32 @!p0 $0xF7A, s2;
	p2 =	seq.s32 @!p0 s5, $0x0  }
0x1f: {  	s9 =	smul.u32 $0xF7A, s1;
	s8 =	simm.s32 @!p0 $0x1BF5;
	p2 =	por !p2, p0  }
0x20: {  	[sflag:s8] =	ssyncset.s32 @!p0 $0xFFFFF086;
	s6 =	sadd.s32 @!p0 s3, s7;
	s7 =	simm.s32 @!p0 $0x108  }
0x21: {  	s3 =	sadd.s32 s3, s9;
	s6 =	sadd.s32 @!p0 $0x88, s6;
	s7 =	simm.s32 @p2 $0x1082  }
0x22: {  	[simem:s7], [sflag:s8] =	dma.local @!p0 [hbm:s6], $0xF7A  }
0x23: {  	s9 =	sor.u32 $0xD0000000, s2;
	s6 =	simm.s32 $0x108;
	_ =	swait.ge @!p0 [sflag:s8], $0x0  }
0x24: {  	s3 =	sadd.s32 $0x88, s3;
	s6 =	simm.s32 @!p1 $0x1082;
	[sflag:s4] =	ssyncset.s32 $0xFFFFF086  }
0x25: {  	[simem:s6], [sflag:s4] =	dma.local [hbm:s3], $0xF7A  }
0x26: {  	[smem:$0x3F9F] =	sst s1;
	(tag) =	ssettag s2;
	_ =	strace s9  }
0x27: {  	s1 =	sld [smem:$0x3FAF]  }
0x28: {  	s2 =	sld [smem:$0x3FB0]  }
0x29: {  	s4 =	sld [smem:$0x3FB2]  }
0x2a: {  	p0 =	seq.s32 s5, $0x0;
	s5 =	sld [smem:$0x3FB3]  }
0x2b: {  	s6 =	sld [smem:$0x3FB4]  }
0x2c: {  	s7 =	sld [smem:$0x3FB5]  }
0x2d: {  	s3 =	simm.s32 $0x108;
	s8 =	sld [smem:$0x3FB6]  }
0x2e: {  	s3 =	simm.s32 @!p0 $0x1082;
	s9 =	sld [smem:$0x3FB7]  }
0x2f: {  	lr =	sadd.s32 s0, s3;
	s0 =	sld [smem:$0x3FAE]  }
0x30: {  	s3 =	sld [smem:$0x3FB1]  }
0x31: {  	[smem:$0x3FBA] =	sst s10  }
0x32: {  	s10 =	sld [smem:$0x3FB8];
	_ =	sdelay $0x3  }
0x33: {  	p0 =	seq.s32 s10, $0x1;
	s10 =	sld [smem:$0x3FBA];
	_ =	sdelay $0x3  }
0x34: {  	[smem:$0x3FBA] =	sst s10  }
0x35: {  	s10 =	sld [smem:$0x3FB9];
	_ =	sdelay $0x3  }
0x36: {  	p1 =	seq.s32 s10, $0x1;
	s10 =	sld [smem:$0x3FBA];
	_ =	sdelay $0x3  }
0x37: {  	[smem:$0x3FBA] =	sst s10  }
0x38: {  	s10 =	sld [smem:$0x3FBB]  }
0x39: {  	_ = 	snop;
	(pc) =	sbr.ind lr, $3  }
0x3a: {  	_ = 	snop  }
0x3b: {  	_ = 	snop  }
0x3c: {  	p2 =	seq.s32 s10, $0x1;
	s10 =	sld [smem:$0x3FBA]  }
0x3d: {  	_ =	shalt  }
0x3e: {  	_ =	shalt  }
0x3f: {  	_ =	shalt  }
0x40: {  	_ =	shalt  }
0x41: {  	_ =	shalt  }
0x42: {  	_ =	shalt  }
0x43: {  	_ =	shalt  }
0x44: {  	_ =	shalt  }
0x45: {  	_ =	shalt  }
0x46: {  	_ =	shalt  }
0x47: {  	_ =	shalt  }
0x48: {  	_ =	shalt  }
0x49: {  	_ =	shalt  }
0x4a: {  	_ =	shalt  }
0x4b: {  	_ =	shalt  }
0x4c: {  	_ =	shalt  }
0x4d: {  	_ =	shalt  }
0x4e: {  	_ =	shalt  }
0x4f: {  	_ =	shalt  }
0x50: {  	_ =	shalt  }
0x51: {  	_ =	shalt  }
0x52: {  	_ =	shalt  }
0x53: {  	_ =	shalt  }
0x54: {  	_ =	shalt  }
0x55: {  	_ =	shalt  }
0x56: {  	_ =	shalt  }
0x57: {  	_ =	shalt  }
0x58: {  	_ =	shalt  }
0x59: {  	_ =	shalt  }
0x5a: {  	_ =	shalt  }
0x5b: {  	_ =	shalt  }
0x5c: {  	_ =	shalt  }
0x5d: {  	_ =	shalt  }
0x5e: {  	_ =	shalt  }
0x5f: {  	_ =	shalt  }
0x60: {  	_ =	shalt  }
0x61: {  	_ =	shalt  }
0x62: {  	_ =	shalt  }
0x63: {  	_ =	shalt  }
0x64: {  	_ =	shalt  }
0x65: {  	_ =	shalt  }
0x66: {  	_ =	shalt  }
0x67: {  	_ =	shalt  }
0x68: {  	_ =	shalt  }
0x69: {  	_ =	shalt  }
0x6a: {  	_ =	shalt  }
0x6b: {  	_ =	shalt  }
0x6c: {  	_ =	shalt  }
0x6d: {  	_ =	shalt  }
0x6e: {  	_ =	shalt  }
0x6f: {  	_ =	shalt  }
0x70: {  	_ =	shalt  }
0x71: {  	_ =	shalt  }
0x72: {  	_ =	shalt  }
0x73: {  	_ =	shalt  }
0x74: {  	_ =	shalt  }
0x75: {  	_ =	shalt  }
0x76: {  	_ =	shalt  }
0x77: {  	_ =	shalt  }
0x78: {  	_ =	shalt  }
0x79: {  	_ =	shalt  }
0x7a: {  	_ =	shalt  }
0x7b: {  	_ =	shalt  }
0x7c: {  	_ =	shalt  }
0x7d: {  	_ =	shalt  }
0x7e: {  	_ =	shalt  }
0x7f: {  	_ =	shalt  }
0x80: {  	_ =	shalt  }
0x81: {  	_ =	shalt  }
0x82: {  	_ =	shalt  }
0x83: {  	_ =	shalt  }
0x84: {  	_ =	shalt  }
0x85: {  	_ =	shalt  }
0x86: {  	_ =	shalt  }
0x87: {  	_ =	shalt  }
.Lfunc_end0:
.L_simem_size_0:
called_computation.1_lowered:
.L_overlay_start_0:
0x88: {  	s2 =	sld [smem:$0x3FD9]  }
0x89: {  	s3 =	sld [smem:$0x3FFE];
	_ =	sdelay $0x1  }
0x8a: {  	s1 =	srdreg.scid  }
0x8b: {  	s0 =	sand.u32 $0x1, s1  }
0x8c: {  	s14 =	sshll.u32 s0, $0xA;
	s2 =	sadd.s32 s3, s2  }
0x8d: {  	s2 =	sadd.s32 s2, s14  }
0x8e: {  	[smem:$0x3FC6] =	sst s2  }
0x8f: {  	_ = 	snop  }
0x90: {  	s2 =	sld [smem:$0x3FD0];
	_ =	sdelay $0x2  }
0x91: {  	s15 =	simm.s32 $0xA;
	s4 =	simm.s32 $0x10  }
0x92: {  	[smem:s4], [sflag:s15] =	dma.local [hbm:s2], $0x1  }
0x93: {  	_ =	swait.eq [sflag:s15], $0x1  }
0x94: {  	[sflag:s15] =	ssyncset.done $0x0  }
0x95: {  	[sflag:s15] =	ssyncadd.s32 $0xFFFFFFFF  }
0x96: {  	s16 =	sld [smem:$0x13];
	(tm) =	ssettm $0x1  }
0x97: {  	s17 =	sld [smem:$0x3FFB];
	_ =	sdelay $0x3  }
0x98: {  	_ =	strace s17  }
0x99: {  	s3 =	sld [smem:$0x3FFC];
	_ =	sdelay $0x3  }
0x9a: {  	_ =	strace s3  }
0x9b: {  	s3 =	sld [smem:$0x3FFD];
	_ =	sdelay $0x3  }
0x9c: {  	_ =	strace s3  }
0x9d: {  	_ =	strace $0x8FFFFFFF  }
0x9e: {  	s18 =	sld [smem:$0x3FDB];
	_ =	sdelay $0x1  }
0x9f: {  	s19 =	simm.s32 $_scs_section_size  }
0xa0: {  	s5 =	simm.s32 $_size__tile_overlayer_lowered;
	s6 =	simm.s32 $_tile_overlayer_lowered  }
0xa1: {  	s22 =	simm.s32 $0x1BFF;
	s21 =	sshll.u32 s6, $0x1;
	s3 =	sadd.s32 s19, s18  }
0xa2: {  	s7 =	simm.s32 $0x0;
	s20 =	sshll.u32 s5, $0x1;
	s5 =	sadd.s32 s21, s3  }
0xa3: {  	[timem:s7], [sflag:s22] =	dma.local [hbm:s5], s20  }
0xa4: {  	_ =	swait.ge [sflag:s22], s20  }
0xa5: {  	s4 =	ssub.s32 $0x0, s20;
	[sflag:s22] =	ssyncset.done $0x0  }
0xa6: {  	[sflag:s22] =	ssyncadd.s32 s4;
	_ =	sdelay $0x1  }
0xa7: {  	s23 =	simm.s32 $0x1B8B  }
0xa8: {  	_ =	swait.ge [sflag:s23], $0x1  }
0xa9: {  	[sflag:s23] =	ssyncset.done $0x0  }
0xaa: {  	s25 =	simm.s32 $0x1B8E;
	s24 =	sld [smem:$0x3FFE];
	[sflag:s23] =	ssyncadd.s32 $0xFFFFFFFF  }
0xab: {  	s26 =	simm.s32 $execute0_lowered;
	[smem:$0x3FD2] =	sst s25  }
0xac: {  	s5 =	sshll.u32 s26, $0x1;
	_ =	strace $0x80000049;
	[dreg:$0x1] =	wrdreg $0xFFFFFFFF  }
0xad: {  	s28 =	simm.s32 $_size_execute0_lowered;
	s3 =	sadd.s32 s3, s5;
	[dreg:$0x0] =	wrdreg $0x0  }
0xae: {  	s5 =	sshll.u32 s28, $0x1;
	[dreg:$0x2] =	wrdreg s3  }
0xaf: {  	[dreg:$0x3] =	wrdreg s5  }
0xb0: {  	[dreg:$0x4] =	wrdreg $0xC0  }
0xb1: {  	_ =	task [dreg:s7], $0x5FFFF  }
0xb2: {  	[dreg:$0x1] =	wrdreg $0xFFFFFFFF  }
0xb3: {  	[dreg:$0x0] =	wrdreg $0x60  }
0xb4: {  	[dreg:$0x2] =	wrdreg s24  }
0xb5: {  	[dreg:$0x3] =	wrdreg s16  }
0xb6: {  	[dreg:$0x4] =	wrdreg $0x9  }
0xb7: {  	_ =	task.clear_ibuf [dreg:s7], $0x5FFFF;
	_ =	strace $0x90000049  }
0xb8: {  	s29 =	simm.s32 $0x9;
	_ =	strace $0x8000004B  }
0xb9: {  	_ =	swait.ge [sflag:s29], $0x1  }
0xba: {  	[sflag:s29] =	ssyncadd.s32 $0xFFFFFFFF  }
0xbb: {  	_ =	strace $0x9000004B  }
0xbc: {  	_ =	sfence  }
0xbd: {  	s30 =	sld [smem:$0x0];
	_ =	sdelay $0x2  }
0xbe: {  	s31 =	sshll.u32 s1, $0xD;
	s1 =	sshrl.u32 s1, $0x2  }
0xbf: {  	s3 =	sand.u32 $0x4000, s31;
	s1 =	sadd.s32 s1, s30  }
0xc0: {  	s0 =	sor.u32 s3, s0;
	s1 =	sshll.u32 s1, $0x11  }
0xc1: {  	s0 =	sor.u32 s1, s0  }
0xc2: {  	s0 =	sadd.s32 $0x8F2B, s0  }
0xc3: {  	[sflag:s0] =	ssyncadd.remote.s32 $0x1  }
0xc4: {  	_ =	sfence.sel $0xFFFF  }
0xc5: {  	[dreg:$0x0] =	wrdreg $0xFFFFFFFF;
	(pc) =	sbr.abs _section_cstart, $3  }
0xc6: {  	[dreg:$0x1] =	wrdreg $0xFFFFFFFF  }
0xc7: {  	_ =	task.clear_ibuf [dreg:s7], $0x2FFFF;
	_ =	strace $0x9FFFFFFF  }
0xc8: {  	(tm) =	ssettm $0x7FFFFFFF  }
0xc9: {  	_ =	shalt  }
tec
execute0_lowered:
.L_overlay_start_1:
0x0: {  	(tag) =	ssettag $0x1  }
0x1: {  	s2 =	rddreg [dreg:$0x0]  }
0x2: {  	s3 =	rddreg [dreg:$0x1]  }
0x3: {  	s0 =	rddreg [dreg:$0x2];
	s4 =	srdreg.scid  }
0x4: {  	s10 =	simm.s32 $0x0;
	s1 =	stileid.u32;
	s4 =	sand.u32 $0x1, s4  }
0x5: {  	[smem:$0x7FF] =	sst s10;
	s5 =	sshll.u32 s1, $0x1;
	s6 =	ssub.s32 $0x2, s4  }
0x6: {  	s2 =	sadd.s32 $0x1000, s2;
	s4 =	sor.u32 s4, s5;
	s25 =	sshrl.u32 s6, $0x1  }
0x7: {  	_ =	strace $0x8000004A;
	s7 =	sshll.u32 s4, $0x6;
	s5 =	ssub.s32 s6, s25  }
0x8: {  	s11 =	sadd.s32 s3, s7;
	s3 =	sshll.u32 s4, $0x13;
	s6 =	simm.s32 $0x200  }
0x9: {  	v0 =	vlaneseq.u32;
	s7 =	simm.s32 $0x280;
	s4 =	sor.u32 $0x4000, s3;
	s26 =	sor.u32 $0x8000, s3  }
0xa: {  	v30 =	vmul.u32 $0x400, v0;
	s28 =	sor.u32 $0xC000, s3;
	s8 =	sor.u32 $0x10000, s3;
	s9 =	sor.u32 $0x14000, s3  }
0xb: {  	s12 =	sor.u32 $0x18000, s3;
	s13 =	sor.u32 $0x1C000, s3;
	s14 =	sor.u32 $0x20000, s3  }
0xc: {  	v32 =	vimm.f32 $1.000000000e+00;
	s15 =	sor.u32 $0x24000, s3;
	s29 =	sor.u32 $0x28000, s3;
	s30 =	sor.u32 $0x2C000, s3;
	v16 =	vor.u32 s3, v30;
	v22 =	vor.u32 s4, v30  }
0xd: {  	s31 =	sor.u32 $0x30000, s3;
	s16 =	sor.u32 $0x3C000, s3;
	s17 =	sor.u32 $0x40000, s3;
	v10 =	vor.u32 s26, v30;
	v1 =	vor.u32 s28, v30;
	v0 =	vor.u32 s8, v30  }
0xe: {  	s18 =	sor.u32 $0x44000, s3;
	s19 =	sor.u32 $0x48000, s3;
	s20 =	sor.u32 $0x4C000, s3;
	v6 =	vor.u32 s9, v30;
	v3 =	vor.u32 s12, v30;
	v20 =	vor.u32 s13, v30  }
0xf: {  	s21 =	sor.u32 $0x50000, s3;
	s22 =	sor.u32 $0x54000, s3;
	s23 =	sor.u32 $0x58000, s3;
	v5 =	vor.u32 s14, v30;
	v7 =	vor.u32 s15, v30;
	v13 =	vor.u32 s29, v30  }
0x10: {  	s24 =	sor.u32 $0x5C000, s3;
	s25 =	sor.u32 $0x64000, s3;
	v23 =	vor.u32 s30, v30;
	v17 =	vor.u32 s31, v30;
	v18 =	vor.u32 s18, v30;
	s18 =	smax.u32 s5, $0x1  }
0x11: {  	s9 =	sor.u32 $0x34000, s3;
	s12 =	sor.u32 $0x38000, s3;
	v2 =	vor.u32 s16, v30;
	v24 =	vor.u32 s17, v30;
	v26 =	vor.u32 s19, v30;
	p0 =	sne.s32 s18, $0x1  }
.Ltmp0:
0x12: {  	s16 =	sor.u32 $0x60000, s3;
	s26 =	sor.u32 $0x68000, s3;
	v27 =	vor.u32 s20, v30;
	v14 =	vor.u32 s21, v30;
	v4 =	vor.u32 s22, v30;
	(pc) =	sbr.rel @!p0 .LBB2_2-.Ltmp0, $4  }
0x13: {  	s28 =	sor.u32 $0x6C000, s3;
	s29 =	sor.u32 $0x70000, s3;
	s30 =	sor.u32 $0x74000, s3;
	v8 =	vor.u32 s23, v30;
	v11 =	vor.u32 s24, v30;
	v9 =	vor.u32 s25, v30  }
0x14: {  	s17 =	sor.u32 $0x78000, s3;
	s31 =	sor.u32 $0x7C000, s3;
	s3 =	simm.s32 $0x80;
	v19 =	vor.u32 s9, v30;
	v21 =	vor.u32 s12, v30;
	v28 =	vor.u32 s16, v30  }
0x15: {  	s5 =	simm.s32 $0x400;
	s8 =	simm.s32 $0x300;
	s4 =	simm.s32 $0x1;
	v25 =	vor.u32 s26, v30;
	v12 =	vor.u32 s28, v30;
	v15 =	vor.u32 s29, v30  }
0x16: {  	s12 =	simm.s32 $0x2;
	v29 =	vor.u32 s30, v30;
	v31 =	vor.u32 s17, v30;
	v30 =	vor.u32 s31, v30;
	s9 =	simm.s32 $0x380;
	s13 =	sadd.s32 $0xFFFFFFFF, s18  }
.LBB2_1:
0x17: {  	[tilespmem:s10], [sflag:$0x2] =	stream.linear.gather [hbm4b:s11+s10], $0x200, $0x38;
	[tilespmem:$0x480] =	vst v63  }
0x18: {  	p0 =	sne.s32 s13, $0x1;
	s13 =	sadd.s32 $0xFFFFFFFF, s13;
	_ =	swait.ge [sflag:s12], $0x200  }
0x19: {  	[sflag:s12] =	ssyncset.done $0x0  }
0x1a: {  	[sflag:s12] =	ssyncadd.s32 $0xFFFFFE00  }
0x1b: {  	v33 =	vld [tilespmem:$0x1D0]  }
0x1c: {  	[tilespmem:$0x470] =	vst v32;
	v34 =	vld [tilespmem:$0x180]  }
0x1d: {  	[tilespmem:$0x460] =	vst v32;
	v35 =	vld [tilespmem:$0x1E0]  }
0x1e: {  	[tilespmem:$0x450] =	vst v32;
	v36 =	vld [tilespmem:$0x10]  }
0x1f: {  	[tilespmem:$0x440] =	vst v32;
	v37 =	vld [tilespmem:$0x70]  }
0x20: {  	[tilespmem:$0x430] =	vst v32;
	v38 =	vld [tilespmem:$0x20]  }
0x21: {  	[tilespmem:$0x420] =	vst v32;
	v39 =	vld [tilespmem:$0x1F0]  }
0x22: {  	v34 =	vadd.s32 v34, v28;
	[tilespmem:$0x410] =	vst v32;
	v40 =	vld [tilespmem:$0xB0];
	v35 =	vadd.s32 v35, v31  }
0x23: {  	v33 =	vadd.s32 v33, v29;
	[tilespmem:$0x400] =	vst v32;
	v36 =	vadd.s32 v36, v22;
	v41 =	vld [tilespmem:$0x130]  }
0x24: {  	v37 =	vadd.s32 v37, v20;
	v42 =	vld [tilespmem:$0x120];
	[tilespmem:$0x3E0] =	vst v35  }
0x25: {  	v35 =	vld [tilespmem:$0x110];
	[tilespmem:$0x380] =	vst v34  }
0x26: {  	[tilespmem:$0x210] =	vst v36;
	v34 =	vld [tilespmem:$0x1A0];
	v36 =	vadd.s32 v39, v30  }
0x27: {  	v39 =	vadd.s32 v40, v23;
	v40 =	vld [tilespmem:$0x100];
	[tilespmem:$0x3D0] =	vst v33  }
0x28: {  	v33 =	vadd.s32 v38, v10;
	v38 =	vld [tilespmem:$0xE0];
	v41 =	vadd.s32 v41, v27;
	[tilespmem:$0x3F0] =	vst v36  }
0x29: {  	v36 =	vld [tilespmem:$0x40];
	v42 =	vadd.s32 v42, v26;
	[tilespmem:$0x330] =	vst v41  }
0x2a: {  	[tilespmem:$0x2B0] =	vst v39;
	v39 =	vld [tilespmem:$0xD0];
	v35 =	vadd.s32 v35, v18  }
0x2b: {  	v41 =	vld [tilespmem:$0xC0];
	[tilespmem:$0x320] =	vst v42  }
0x2c: {  	v42 =	vld [tilespmem:$0x50];
	[tilespmem:$0x270] =	vst v37;
	v37 =	vadd.s32 v40, v24  }
0x2d: {  	v34 =	vadd.s32 v34, v25;
	v40 =	vld [tilespmem:$0xA0];
	v38 =	vadd.s32 v38, v21;
	[tilespmem:$0x300] =	vst v37  }
0x2e: {  	[tilespmem:$0x220] =	vst v33;
	v33 =	vld [tilespmem:$0x30]  }
0x2f: {  	v37 =	vld [tilespmem:$0x90];
	v39 =	vadd.s32 v39, v19;
	[tilespmem:$0x2E0] =	vst v38  }
0x30: {  	v36 =	vadd.s32 v36, v0;
	v38 =	vld [tilespmem:$0x60];
	v41 =	vadd.s32 v41, v17;
	[tilespmem:$0x2D0] =	vst v39  }
0x31: {  	v39 =	vld [tilespmem:$0x80];
	[tilespmem:$0x3A0] =	vst v34  }
0x32: {  	v34 =	vadd.s32 v42, v6;
	v40 =	vadd.s32 v40, v13;
	[tilespmem:$0x2C0] =	vst v41  }
0x33: {  	v33 =	vadd.s32 v33, v1;
	[tilespmem:$0x2A0] =	vst v40;
	v40 =	vld [tilespmem:$0x140]  }
0x34: {  	v41 =	vld [tilespmem:$0x0];
	[tilespmem:$0x250] =	vst v34;
	v34 =	vadd.s32 v37, v7  }
0x35: {  	v37 =	vadd.s32 v38, v3;
	[tilespmem:$0x290] =	vst v34;
	v34 =	vld [tilespmem:$0xF0]  }
0x36: {  	v38 =	vadd.s32 v39, v5;
	[tilespmem:$0x310] =	vst v35;
	v35 =	vld [tilespmem:$0x170]  }
0x37: {  	[tilespmem:$0x260] =	vst v37  }
0x38: {  	[tilespmem:$0x280] =	vst v38;
	v37 =	vadd.s32 v40, v14;
	v38 =	vld [tilespmem:$0x160]  }
0x39: {  	v39 =	vadd.s32 v41, v16;
	[tilespmem:$0x340] =	vst v37;
	v37 =	vld [tilespmem:$0x1C0]  }
0x3a: {  	[tilespmem:$0x230] =	vst v33;
	v33 =	vadd.s32 v34, v2;
	v34 =	vld [tilespmem:$0x1B0]  }
0x3b: {  	[tilespmem:$0x200] =	vst v39;
	v35 =	vadd.s32 v35, v11;
	v39 =	vld [tilespmem:$0x190]  }
0x3c: {  	v40 =	vld [tilespmem:$0x150];
	[tilespmem:$0x370] =	vst v35  }
0x3d: {  	[tilespmem:$0x240] =	vst v36;
	v35 =	vadd.s32 v38, v8  }
0x3e: {  	[tilespmem:$0x360] =	vst v35;
	v35 =	vadd.s32 v37, v15  }
0x3f: {  	v34 =	vadd.s32 v34, v12;
	[tilespmem:$0x3C0] =	vst v35  }
0x40: {  	v35 =	vadd.s32 v39, v9;
	[tilespmem:$0x3B0] =	vst v34  }
0x41: {  	v34 =	vadd.s32 v40, v4;
	[tilespmem:$0x390] =	vst v35  }
0x42: {  	[tilespmem:$0x350] =	vst v34  }
0x43: {  	[tilespmem:$0x2F0] =	vst v33  }
0x44: {  	[hbm4b:s2+s3] =	stream.indirect.scatter [tilespmem:s5], [sflag:$0x1], $0x1, s6, s3, $0xb8;
	[tilespmem:$0x480] =	vst v63  }
0x45: {  	_ = 	snop  }
0x46: {  	[hbm4b:s2+s3] =	stream.indirect.scatter [tilespmem:s5], [sflag:$0x1], $0x1, s7, s3, $0xb8;
	[tilespmem:$0x480] =	vst v63  }
0x47: {  	_ = 	snop  }
0x48: {  	[hbm4b:s2+s3] =	stream.indirect.scatter [tilespmem:s5], [sflag:$0x1], $0x1, s8, s3, $0xb8;
	[tilespmem:$0x480] =	vst v63  }
0x49: {  	_ = 	snop  }
0x4a: {  	[hbm4b:s2+s3] =	stream.indirect.scatter [tilespmem:s5], [sflag:$0x1], $0x1, s9, s3, $0xb8;
	[tilespmem:$0x480] =	vst v63  }
0x4b: {  	_ =	swait.ge [sflag:s4], $0x80  }
0x4c: {  	[sflag:s4] =	ssyncset.done $0x0  }
0x4d: {  	[sflag:s4] =	ssyncadd.s32 $0xFFFFFF80  }
0x4e: {  	_ =	swait.ge [sflag:s4], $0x80  }
0x4f: {  	[sflag:s4] =	ssyncset.done $0x0  }
0x50: {  	[sflag:s4] =	ssyncadd.s32 $0xFFFFFF80  }
0x51: {  	_ =	swait.ge [sflag:s4], $0x80  }
.Ltmp1:
0x52: {  	[sflag:s4] =	ssyncset.done $0x0;
	(pc) =	sbr.rel @p0 .LBB2_1-.Ltmp1, $4  }
0x53: {  	[sflag:s4] =	ssyncadd.s32 $0xFFFFFF80  }
0x54: {  	_ =	swait.ge [sflag:s4], $0x80  }
0x55: {  	[sflag:s4] =	ssyncset.done $0x0  }
0x56: {  	[sflag:s4] =	ssyncadd.s32 $0xFFFFFF80  }
.LBB2_2:
0x57: {  	[tilespmem:s10], [sflag:$0x2] =	stream.linear.gather [hbm4b:s11+s10], $0x200, $0x38;
	[tilespmem:$0x480] =	vst v63  }
0x58: {  	_ =	swait.ge [sflag:s12], $0x200  }
0x59: {  	[sflag:s12] =	ssyncset.done $0x0  }
0x5a: {  	[sflag:s12] =	ssyncadd.s32 $0xFFFFFE00  }
0x5b: {  	[tilespmem:$0x470] =	vst v32  }
0x5c: {  	[tilespmem:$0x460] =	vst v32  }
0x5d: {  	v33 =	vld [tilespmem:$0x1E0];
	[tilespmem:$0x450] =	vst v32  }
0x5e: {  	v34 =	vld [tilespmem:$0x180];
	[tilespmem:$0x440] =	vst v32  }
0x5f: {  	v35 =	vld [tilespmem:$0x10];
	[tilespmem:$0x430] =	vst v32  }
0x60: {  	v36 =	vld [tilespmem:$0x1D0];
	[tilespmem:$0x420] =	vst v32  }
0x61: {  	v37 =	vld [tilespmem:$0x1F0];
	[tilespmem:$0x410] =	vst v32  }
0x62: {  	[tilespmem:$0x400] =	vst v32;
	v57 =	vld [tilespmem:$0x130];
	v31 =	vadd.s32 v33, v31  }
0x63: {  	v58 =	vld [tilespmem:$0xB0];
	v28 =	vadd.s32 v34, v28;
	[tilespmem:$0x3E0] =	vst v31  }
0x64: {  	v59 =	vld [tilespmem:$0x120];
	v22 =	vadd.s32 v35, v22;
	[tilespmem:$0x380] =	vst v28  }
0x65: {  	v60 =	vld [tilespmem:$0x70];
	v29 =	vadd.s32 v36, v29;
	[tilespmem:$0x210] =	vst v22  }
0x66: {  	v62 =	vld [tilespmem:$0x100];
	v61 =	vadd.s32 v37, v30;
	[tilespmem:$0x3D0] =	vst v29  }
0x67: {  	v63 =	vld [tilespmem:$0x20];
	v27 =	vadd.s32 v57, v27;
	[tilespmem:$0x3F0] =	vst v61  }
0x68: {  	v38 =	vld [tilespmem:$0xA0];
	v32 =	vadd.s32 v58, v23;
	[tilespmem:$0x330] =	vst v27  }
0x69: {  	v39 =	vld [tilespmem:$0x50];
	v26 =	vadd.s32 v59, v26;
	[tilespmem:$0x2B0] =	vst v32  }
0x6a: {  	v40 =	vld [tilespmem:$0x90];
	v20 =	vadd.s32 v60, v20;
	[tilespmem:$0x320] =	vst v26  }
0x6b: {  	v41 =	vld [tilespmem:$0x110];
	v37 =	vadd.s32 v62, v24;
	[tilespmem:$0x270] =	vst v20  }
0x6c: {  	v43 =	vld [tilespmem:$0x60];
	v10 =	vadd.s32 v63, v10;
	[tilespmem:$0x300] =	vst v37  }
0x6d: {  	v44 =	vld [tilespmem:$0x80];
	v13 =	vadd.s32 v38, v13;
	[tilespmem:$0x220] =	vst v10  }
0x6e: {  	v45 =	vld [tilespmem:$0x140];
	v6 =	vadd.s32 v39, v6;
	[tilespmem:$0x2A0] =	vst v13  }
0x6f: {  	v46 =	vld [tilespmem:$0x30];
	v47 =	vadd.s32 v40, v7;
	[tilespmem:$0x250] =	vst v6  }
0x70: {  	v51 =	vld [tilespmem:$0x40];
	v48 =	vadd.s32 v41, v18;
	[tilespmem:$0x290] =	vst v47  }
0x71: {  	v53 =	vld [tilespmem:$0x160];
	v3 =	vadd.s32 v43, v3;
	[tilespmem:$0x310] =	vst v48  }
0x72: {  	v54 =	vld [tilespmem:$0x1C0];
	v5 =	vadd.s32 v44, v5;
	[tilespmem:$0x260] =	vst v3  }
0x73: {  	v49 =	vld [tilespmem:$0x0];
	v52 =	vadd.s32 v45, v14;
	[tilespmem:$0x280] =	vst v5  }
0x74: {  	v50 =	vld [tilespmem:$0x170];
	v1 =	vadd.s32 v46, v1;
	[tilespmem:$0x340] =	vst v52  }
0x75: {  	v55 =	vld [tilespmem:$0x1B0];
	v0 =	vadd.s32 v51, v0;
	[tilespmem:$0x230] =	vst v1  }
0x76: {  	v56 =	vld [tilespmem:$0x190];
	v59 =	vadd.s32 v53, v8;
	[tilespmem:$0x240] =	vst v0  }
0x77: {  	v33 =	vld [tilespmem:$0xE0];
	v60 =	vadd.s32 v54, v15;
	[tilespmem:$0x360] =	vst v59  }
0x78: {  	v34 =	vld [tilespmem:$0xD0];
	v10 =	vadd.s32 v49, v16;
	[tilespmem:$0x3C0] =	vst v60  }
0x79: {  	v35 =	vld [tilespmem:$0x1A0];
	v6 =	vadd.s32 v50, v11;
	[tilespmem:$0x200] =	vst v10  }
0x7a: {  	v36 =	vld [tilespmem:$0xC0];
	v1 =	vadd.s32 v55, v12;
	[tilespmem:$0x370] =	vst v6  }
0x7b: {  	v57 =	vld [tilespmem:$0x150];
	v61 =	vadd.s32 v56, v9;
	[tilespmem:$0x3B0] =	vst v1  }
0x7c: {  	v58 =	vld [tilespmem:$0xF0];
	[tilespmem:$0x390] =	vst v61;
	v21 =	vadd.s32 v33, v21  }
0x7d: {  	v19 =	vadd.s32 v34, v19;
	[tilespmem:$0x2E0] =	vst v21  }
0x7e: {  	v42 =	vadd.s32 v35, v25;
	[tilespmem:$0x2D0] =	vst v19  }
0x7f: {  	v17 =	vadd.s32 v36, v17;
	[tilespmem:$0x3A0] =	vst v42  }
0x80: {  	v62 =	vadd.s32 v57, v4;
	[tilespmem:$0x2C0] =	vst v17  }
0x81: {  	v63 =	vadd.s32 v58, v2;
	[tilespmem:$0x350] =	vst v62  }
0x82: {  	[tilespmem:$0x2F0] =	vst v63  }
0x83: {  	[hbm4b:s2+s3] =	stream.indirect.scatter [tilespmem:s5], [sflag:$0x1], $0x1, s6, s3, $0xb8;
	[tilespmem:$0x480] =	vst v63  }
0x84: {  	_ = 	snop  }
0x85: {  	[hbm4b:s2+s3] =	stream.indirect.scatter [tilespmem:s5], [sflag:$0x1], $0x1, s7, s3, $0xb8;
	[tilespmem:$0x480] =	vst v63  }
0x86: {  	_ = 	snop  }
0x87: {  	[hbm4b:s2+s3] =	stream.indirect.scatter [tilespmem:s5], [sflag:$0x1], $0x1, s8, s3, $0xb8;
	[tilespmem:$0x480] =	vst v63  }
0x88: {  	_ = 	snop  }
0x89: {  	[hbm4b:s2+s3] =	stream.indirect.scatter [tilespmem:s5], [sflag:$0x1], $0x1, s9, s3, $0xb8;
	[tilespmem:$0x480] =	vst v63  }
0x8a: {  	_ =	swait.ge [sflag:s4], $0x80  }
0x8b: {  	[sflag:s4] =	ssyncset.done $0x0  }
0x8c: {  	[sflag:s4] =	ssyncadd.s32 $0xFFFFFF80  }
0x8d: {  	_ =	swait.ge [sflag:s4], $0x80  }
0x8e: {  	[sflag:s4] =	ssyncset.done $0x0  }
0x8f: {  	[sflag:s4] =	ssyncadd.s32 $0xFFFFFF80  }
0x90: {  	_ =	swait.ge [sflag:s4], $0x80  }
0x91: {  	[sflag:s4] =	ssyncset.done $0x0  }
0x92: {  	[sflag:s4] =	ssyncadd.s32 $0xFFFFFF80  }
0x93: {  	_ =	swait.ge [sflag:s4], $0x80  }
0x94: {  	[sflag:s4] =	ssyncset.done $0x0  }
0x95: {  	[sflag:s4] =	ssyncadd.s32 $0xFFFFFF80  }
0x96: {  	_ =	sfence.sel $0x180000  }
0x97: {  	[bflag:$0x0] =	sbarrier.arrive $0xFFFF  }
0x98: {  	p0 =	sne.s32 s1, $0x0;
	_ =	strace $0x9000004A  }
0x99: {  	s0 =	sadd.s32 @!p0 $0x100000, s0;
	[bflag:$0x2] =	sbarrier.arrive $0xFFFF  }
0x9a: {  	[sflag:s0] =	ssyncadd.tile.s32 @!p0 $0x1;
	_ =	shalt  }
.Lfunc_end2:
_tile_overlayer_lowered:
.L_overlay_start_2:
0x9b: {  	(tag) =	ssettag $0x2  }
0x9c: {  	s0 =	rddreg [dreg:$0x0];
	s2 =	stileid.u32  }
0x9d: {  	s1 =	rddreg [dreg:$0x1];
	p0 =	sne.s32 s2, $0x0  }
0x9e: {  	s3 =	rddreg [dreg:$0x2];
	[bflag:$0x3] =	sbarrier.arrive $0xFFFF;
	s2 =	simm.s32 @!p0 $0x1C02  }
0x9f: {  	[timem:s3], [sflag:s2] =	dma.local @!p0 [hbm:s0], s1  }
0xa0: {  	s0 =	simm.s32 @!p0 $0x2  }
0xa1: {  	_ =	swait.ge @!p0 [sflag:s0], s1  }
0xa2: {  	s1 =	ssub.s32 @!p0 $0x0, s1;
	[sflag:s0] =	ssyncset.done @!p0 $0x0  }
0xa3: {  	[sflag:s0] =	ssyncadd.s32 @!p0 s1  }
0xa4: {  	[bflag:$0x3] =	sbarrier.arrive $0xFFFF  }
0xa5: {  	_ =	shalt  }

</sc_bundles>
